<compile_context>
chip_gen: v7x
topology: tpu7x:2x2x1
jax: 0.10.2.dev20260603
libtpu: 0.0.44.dev20260713+nightly
codegen_flags: <defaults>
</compile_context>

<pallas_src>
import functools
import jax
import jax.numpy as jnp
from jax import lax
from jax.experimental import pallas as pl
from jax.experimental.pallas import tpu as pltpu
from jax.experimental.pallas import tpu_sc as plsc

_TT = 4096


def _scores_body(q_ref, k_ref, wq_ref, wk_ref, ls_ref, out_ref, m_ref):
    h = pl.program_id(1)
    t = pl.program_id(2)
    T, D = k_ref.shape[2], k_ref.shape[3]
    NB = T // D
    S = wq_ref.shape[2]
    BS = D

    @pl.when(t == 0)
    def _():
        k = k_ref[0, 0]
        ks = jnp.mean(k.reshape(NB, BS, D), axis=1)
        kr = jnp.dot(ks, wk_ref[0], preferred_element_type=jnp.float32)
        ls = ls_ref[...]
        hmask = (jax.lax.broadcasted_iota(jnp.int32, ls.shape, 0) == h)
        ls_h = jnp.sum(jnp.where(hmask, ls, 0.0))
        m_ref[...] = kr * jnp.exp(ls_h)

    q = q_ref[0, 0]
    qr = jnp.dot(q, wq_ref[0], preferred_element_type=jnp.float32)
    s = jax.lax.dot_general(m_ref[...], qr, (((1,), (1,)), ((), ())),
                            preferred_element_type=jnp.float32)

    vv = jax.lax.broadcasted_iota(jnp.int32, (NB, _TT), 0)
    tb = (t * _TT + jax.lax.broadcasted_iota(jnp.int32, (NB, _TT), 1)) // BS
    s = jnp.where(vv > tb, -1e30 * (vv + 1).astype(jnp.float32), s)
    out_ref[0, 0] = s.T


def _tc_scores(Q, K, Wq, Wk, logit_scale):
    B, T, HQ, D = Q.shape
    H = K.shape[2]
    G = HQ // H
    S = Wq.shape[2]
    NB = T // D

    Qrep = jnp.transpose(Q[:, :, ::G, :], (0, 2, 1, 3))
    Kt = jnp.transpose(K, (0, 2, 1, 3))
    ls2 = logit_scale.reshape(H, 1).astype(jnp.float32)

    s = pl.pallas_call(
        _scores_body,
        grid=(B, H, T // _TT),
        in_specs=[
            pl.BlockSpec((1, 1, _TT, D), lambda b, h, t: (b, h, t, 0)),
            pl.BlockSpec((1, 1, T, D), lambda b, h, t: (b, h, 0, 0)),
            pl.BlockSpec((1, D, S), lambda b, h, t: (h, 0, 0)),
            pl.BlockSpec((1, D, S), lambda b, h, t: (h, 0, 0)),
            pl.BlockSpec((H, 1), lambda b, h, t: (0, 0)),
        ],
        out_specs=pl.BlockSpec((1, 1, _TT, NB), lambda b, h, t: (b, h, t, 0)),
        out_shape=jax.ShapeDtypeStruct((B, H, T, NB), jnp.float32),
        scratch_shapes=[pltpu.VMEM((NB, S), jnp.float32)],
        compiler_params=pltpu.CompilerParams(
            dimension_semantics=("parallel", "parallel", "arbitrary")),
    )(Qrep, Kt, Wq, Wk, ls2)
    return s


def _merge16(ka, va, kb, vb):
    kbr = lax.rev(kb, (0,))
    vbr = lax.rev(vb, (0,))
    m = ka >= kbr
    kc = jnp.where(m, ka, kbr)
    vc = jnp.where(m, va, vbr)
    return plsc.sort_key_val(kc, vc, descending=True)


def _sc_router(scores2d, T, NB, S):
    R = scores2d.shape[0]
    info = plsc.get_sparse_core_info()
    NC, NS, L = info.num_cores, info.num_subcores, info.num_lanes
    NW = NC * NS
    rows_per_w = R // NW
    CH = 512
    n_chunks = rows_per_w // CH
    mesh = plsc.VectorSubcoreMesh(core_axis_name="c", subcore_axis_name="s")

    @functools.partial(
        pl.kernel, mesh=mesh,
        out_type=jax.ShapeDtypeStruct((R, S), jnp.int32),
        scratch_types=[
            pltpu.VMEM((CH, NB), jnp.float32),
            pltpu.VMEM((CH, S), jnp.int32),
        ],
        compiler_params=pltpu.CompilerParams(needs_layout_passes=False),
    )
    def k(s_hbm, out_hbm, sv, ov):
        wid = lax.axis_index("s") * NC + lax.axis_index("c")
        iota = lax.iota(jnp.int32, L)

        def chunk_body(ci, _):
            base = wid * rows_per_w + ci * CH
            pltpu.sync_copy(s_hbm.at[pl.ds(base, CH)], sv)

            def row_body(i, __):
                grow = base + i
                t = grow % T
                tb = t // (T // NB)
                lb0 = tb
                lb1 = jnp.maximum(tb - 1, 0)
                ks = []
                vs = []
                for c4 in range(NB // L):
                    kk, vv = plsc.sort_key_val(
                        sv[i, pl.ds(c4 * L, L)], iota + c4 * L,
                        descending=True)
                    ks.append(kk)
                    vs.append(vv)
                k01, v01 = _merge16(ks[0], vs[0], ks[1], vs[1])
                k23, v23 = _merge16(ks[2], vs[2], ks[3], vs[3])
                _, win = _merge16(k01, v01, k23, v23)
                si, _unused = plsc.sort_key_val(win, win)
                q1 = plsc.all_reduce_population_count(si < lb1)
                q2 = plsc.all_reduce_population_count(si < lb0) + 1
                sh = jnp.where(iota > q1, 1, 0) + jnp.where(iota > q2, 1, 0)
                jw = iota - sh
                g = lax.gather(
                    si, jw[:, None],
                    lax.GatherDimensionNumbers(offset_dims=(),
                                               collapsed_slice_dims=(0,),
                                               start_index_map=(0,)),
                    (1,), mode=lax.GatherScatterMode.PROMISE_IN_BOUNDS)
                res = jnp.where(iota == q1, lb1,
                                jnp.where(iota == q2, lb0, g))
                ov[i, :] = res
                return __

            lax.fori_loop(0, CH, row_body, 0, unroll=8)
            pltpu.sync_copy(ov, out_hbm.at[pl.ds(base, CH)])
            return _

        lax.fori_loop(0, n_chunks, chunk_body, 0)

    return k


def kernel(Q, K, Wq, Wk, logit_scale, block_size, selected_blocks, groups):
    B, T, HQ, D = Q.shape
    H = K.shape[2]
    S = Wq.shape[2]
    NB = T // D

    s = _tc_scores(Q, K, Wq, Wk, logit_scale)
    s2 = s.reshape(B * H * T, NB)
    out2 = _sc_router(s2, T, NB, S)(s2)
    out = out2.reshape(B, H, T, S)
    return jnp.transpose(out, (0, 2, 1, 3))

# --- scband reference (transcript-rebuilt; emitter-appended) ---
"""Pipeline reference for scband-mini-dsarouter-60404420050961 (READ-ONLY COPY).

The authoritative reference and input builder live on the scoring server;
editing this copy changes nothing except your own understanding.
"""

import jax, jax.numpy as jnp
import numpy as np


def setup_inputs(seed: int = 0) -> dict:
    key = jax.random.key(seed)
    k1, k2, k3, k4 = jax.random.split(key, 4)
    B, T, HQ, H, D, Dr = 2, 4096, 32, 8, 64, 16
    Q = jax.random.normal(k1, (B, T, HQ, D), dtype=jnp.float32)
    K = jax.random.normal(k2, (B, T, H, D), dtype=jnp.float32)
    Wq = jax.random.normal(k3, (H, D, Dr), dtype=jnp.float32) * 0.02
    Wk = jax.random.normal(k4, (H, D, Dr), dtype=jnp.float32) * 0.02
    logit_scale = jnp.zeros((H,), dtype=jnp.float32)
    return {"Q": Q, "K": K, "Wq": Wq, "Wk": Wk, "logit_scale": logit_scale,
            "block_size": 64, "selected_blocks": 16, "groups": 4}


def reference(Q, K, Wq, Wk, logit_scale, block_size, selected_blocks, groups):
    B, T, HQ, D = Q.shape
    H = K.shape[2]
    BS = D
    sel_static = Wq.shape[2]
    groups_static = HQ // H
    num_blocks = (T + BS - 1) // BS
    pad = num_blocks * BS - T
    Kp = jnp.pad(K, ((0, 0), (0, pad), (0, 0), (0, 0))) if pad > 0 else K
    Kb = Kp.reshape(B, num_blocks, BS, H, D)
    Ksum = Kb.mean(axis=2)  # summary='mean'
    rep_qh = jnp.arange(H) * groups_static
    Qrep = Q[:, :, rep_qh, :]
    Qr = jnp.einsum('bthd,hdr->bthr', Qrep.astype(jnp.float32), Wq.astype(jnp.float32))
    Kr = jnp.einsum('bnhd,hdr->bnhr', Ksum.astype(jnp.float32), Wk.astype(jnp.float32))
    scores = jnp.einsum('bthr,bnhr->bthn', Qr, Kr)
    scale = jnp.exp(logit_scale).reshape(1, 1, H, 1).astype(jnp.float32)
    scores = scores * scale
    # causal block mask
    t_blk = (jnp.arange(T) // BS).reshape(1, T, 1, 1)
    blk_ids = jnp.arange(num_blocks).reshape(1, 1, 1, num_blocks)
    scores = jnp.where(blk_ids > t_blk, -jnp.inf, scores)
    Kpick = min(sel_static, num_blocks)
    top = jax.lax.top_k(scores, Kpick)[1]
    # add_local=1: union with current and previous block
    add_local = 1
    locals_ = [jnp.maximum(t_blk - d, 0) for d in range(add_local + 1)]
    local = jnp.concatenate(locals_, axis=-1)
    local = jnp.broadcast_to(local, (B, T, H, local.shape[-1])).astype(top.dtype)
    top = jnp.concatenate([top, local], axis=-1)
    top_sorted = jnp.sort(top, axis=-1)
    uniq = []
    for i in range(top_sorted.shape[-1]):
        if i == 0:
            uniq.append(top_sorted[..., i:i + 1])
        else:
            prev = uniq[-1][..., -1:]
            cur = top_sorted[..., i:i + 1]
            uniq.append(jnp.where(cur != prev, cur, prev))
    uniq = jnp.concatenate(uniq, axis=-1)
    uniq = jnp.sort(uniq, axis=-1)
    out = uniq[..., :sel_static].astype(jnp.int32)
    traced_zero = (jnp.asarray(block_size) + jnp.asarray(selected_blocks) + jnp.asarray(groups)) * 0
    out = out + traced_zero.astype(jnp.int32)
    return out

if __name__ == "__main__":
    import jax
    _d = setup_inputs()
    print(jax.jit(kernel)(*tuple(_d.values())))

</pallas_src>

<mosaic_0001>
#map = affine_map<(d0, d1) -> (0, 0)>
module attributes {stable_mosaic.version = 14 : i64} {
  func.func @k(%arg0: i32, %arg1: i32, %arg2: memref<65536x64xf32, #tpu.memory_space<hbm>>, %arg3: memref<65536x16xi32, #tpu.memory_space<hbm>>, %arg4: memref<512x64xf32, #tpu.memory_space<vmem>>, %arg5: memref<512x16xi32, #tpu.memory_space<vmem>>) attributes {dimension_semantics = [#tpu.dimension_semantics<core_parallel>, #tpu.dimension_semantics<subcore_parallel>], iteration_bounds = array<i64: 2, 16>, scalar_prefetch = 0 : i64, scratch_operands = 2 : i64, tpu.core_type = #tpu.core_type<sc_vector_subcore>, window_params = [{transform_indices = #map}, {transform_indices = #map}]} {
    %mul3A = arith.constant 2 : i32
    %mul3A_0 = arith.muli %arg1, %mul3A : i32
    %add3A = arith.addi %mul3A_0, %arg0 : i32
    %iota3A = tpu.iota {dimensions = array<i32: 0>} : vector<16xi32>
    %scan3A = arith.constant 0 : i32
    %scan3A_1 = arith.constant 0 : i32
    %scan3A_2 = arith.constant 4 : i32
    %scan3A_3 = arith.addi %scan3A_1, %scan3A_2 : i32
    %scan3A_4 = arith.constant 1 : i32
    scf.for %scan3A_6 = %scan3A_1 to %scan3A_3 step %scan3A_4  : i32 {
      %mul3A_7 = arith.constant 2048 : i32
      %mul3A_8 = arith.muli %add3A, %mul3A_7 : i32
      %mul3A_9 = arith.constant 512 : i32
      %mul3A_10 = arith.muli %scan3A_6, %mul3A_9 : i32
      %add3A_11 = arith.addi %mul3A_8, %mul3A_10 : i32
      "tpu.region"() ({
        %run_scoped3A = tpu.sem_alloc : memref<!tpu.dma_semaphore, #tpu.memory_space<semaphore_mem>>
        %dma_start3A = arith.constant 0 : i32
        %dma_start3A_18 = tpu.memref_slice %arg2[%add3A_11, %dma_start3A] : memref<65536x64xf32, #tpu.memory_space<hbm>> -> memref<512x64xf32, #tpu.memory_space<hbm>>
        %dma_start3A_19 = arith.constant 0 : i32
        %dma_start3A_20 = tpu.memref_slice %arg2[%add3A_11, %dma_start3A_19] : memref<65536x64xf32, #tpu.memory_space<hbm>> -> memref<512x64xf32, #tpu.memory_space<hbm>>
        tpu.enqueue_dma source(%dma_start3A_20 : memref<512x64xf32, #tpu.memory_space<hbm>>) target(%arg4 : memref<512x64xf32, #tpu.memory_space<vmem>>) target_semaphore(%run_scoped3A : memref<!tpu.dma_semaphore, #tpu.memory_space<semaphore_mem>>)
        %dma_wait3A = arith.constant 0 : i32
        %dma_wait3A_21 = tpu.memref_slice %arg2[%add3A_11, %dma_wait3A] : memref<65536x64xf32, #tpu.memory_space<hbm>> -> memref<512x64xf32, #tpu.memory_space<hbm>>
        %dma_wait3A_22 = arith.constant 0 : i32
        %dma_wait3A_23 = tpu.memref_slice %arg2[%add3A_11, %dma_wait3A_22] : memref<65536x64xf32, #tpu.memory_space<hbm>> -> memref<512x64xf32, #tpu.memory_space<hbm>>
        tpu.wait_dma2 semaphore(%run_scoped3A : memref<!tpu.dma_semaphore, #tpu.memory_space<semaphore_mem>>) src(%dma_wait3A_23 : memref<512x64xf32, #tpu.memory_space<hbm>>) dst(%arg4 : memref<512x64xf32, #tpu.memory_space<vmem>>)
        tpu.yield
      }) : () -> ()
      %scan3A_12 = arith.constant 0 : i32
      %scan3A_13 = arith.constant 0 : i32
      %scan3A_14 = arith.constant 512 : i32
      %scan3A_15 = arith.addi %scan3A_13, %scan3A_14 : i32
      %scan3A_16 = arith.constant 8 : i32
      scf.for %scan3A_18 = %scan3A_13 to %scan3A_15 step %scan3A_16  : i32 {
        %add3A_19 = arith.addi %add3A_11, %scan3A_18 : i32
        %jit3A = arith.constant 4096 : i32
        %eq3A = arith.constant 0 : i32
        %eq3A_20 = arith.cmpi eq, %jit3A, %eq3A : i32
        %jit3A_21 = arith.constant 1 : i32
        %select_n3A = arith.select %eq3A_20, %jit3A_21, %jit3A : i32
        %rem3A = arith.remsi %add3A_19, %select_n3A : i32
        %ne3A = arith.constant 0 : i32
        %ne3A_22 = arith.cmpi ne, %rem3A, %ne3A : i32
        %lt3A = arith.constant 0 : i32
        %lt3A_23 = arith.cmpi slt, %rem3A, %lt3A : i32
        %lt3A_24 = arith.constant 0 : i32
        %lt3A_25 = arith.cmpi slt, %select_n3A, %lt3A_24 : i32
        %ne3A_26 = arith.xori %lt3A_23, %lt3A_25 : i1
        %and3A = arith.andi %ne3A_26, %ne3A_22 : i1
        %add3A_27 = arith.addi %rem3A, %select_n3A : i32
        %select_n3A_28 = arith.select %and3A, %add3A_27, %rem3A : i32
        %jit3A_29 = arith.constant 64 : i32
        %div3A = arith.divsi %select_n3A_28, %jit3A_29 : i32
        %sign3A = arith.constant 0 : i32
        %sign3A_30 = arith.cmpi sgt, %select_n3A_28, %sign3A : i32
        %sign3A_31 = arith.extui %sign3A_30 : i1 to i32
        %sign3A_32 = arith.constant 0 : i32
        %sign3A_33 = arith.cmpi slt, %select_n3A_28, %sign3A_32 : i32
        %sign3A_34 = arith.extui %sign3A_33 : i1 to i32
        %sign3A_35 = arith.subi %sign3A_31, %sign3A_34 : i32
        %sign3A_36 = arith.constant 0 : i32
        %sign3A_37 = arith.cmpi sgt, %jit3A_29, %sign3A_36 : i32
        %sign3A_38 = arith.extui %sign3A_37 : i1 to i32
        %sign3A_39 = arith.constant 0 : i32
        %sign3A_40 = arith.cmpi slt, %jit3A_29, %sign3A_39 : i32
        %sign3A_41 = arith.extui %sign3A_40 : i1 to i32
        %sign3A_42 = arith.subi %sign3A_38, %sign3A_41 : i32
        %ne3A_43 = arith.cmpi ne, %sign3A_35, %sign3A_42 : i32
        %rem3A_44 = arith.remsi %select_n3A_28, %jit3A_29 : i32
        %ne3A_45 = arith.constant 0 : i32
        %ne3A_46 = arith.cmpi ne, %rem3A_44, %ne3A_45 : i32
        %and3A_47 = arith.andi %ne3A_43, %ne3A_46 : i1
        %sub3A = arith.constant 1 : i32
        %sub3A_48 = arith.subi %div3A, %sub3A : i32
        %select_n3A_49 = arith.select %and3A_47, %sub3A_48, %div3A : i32
        %sub3A_50 = arith.constant 1 : i32
        %sub3A_51 = arith.subi %select_n3A_49, %sub3A_50 : i32
        %max3A = arith.constant 0 : i32
        %max3A_52 = arith.maxsi %sub3A_51, %max3A : i32
        %get3A = arith.index_cast %scan3A_18 : i32 to index
        %get3A_53 = arith.constant 0 : index
        %get3A_54 = tpu.vector_load %arg4[%get3A, %get3A_53] {strides = array<i32>} : memref<512x64xf32, #tpu.memory_space<vmem>>, vector<16xf32>,
        %add3A_55 = arith.constant 0 : i32
        %add3A_56 = vector.broadcast %add3A_55 : i32 to vector<16xi32>
        %add3A_57 = arith.addi %iota3A, %add3A_56 : vector<16xi32>
        %masked_sort3A = arith.constant dense<true> : vector<16xi1>
        %masked_sort3A_58, %masked_sort3A_59, %masked_sort3A_60 = tpu.sort %get3A_54, %add3A_57 masked %masked_sort3A {descending = true} : (vector<16xf32>, vector<16xi32>, vector<16xi1>) -> (vector<16xi1>, vector<16xf32>, vector<16xi32>)
        %get3A_61 = arith.index_cast %scan3A_18 : i32 to index
        %get3A_62 = arith.constant 16 : index
        %get3A_63 = tpu.vector_load %arg4[%get3A_61, %get3A_62] {strides = array<i32>} : memref<512x64xf32, #tpu.memory_space<vmem>>, vector<16xf32>,
        %add3A_64 = arith.constant 16 : i32
        %add3A_65 = vector.broadcast %add3A_64 : i32 to vector<16xi32>
        %add3A_66 = arith.addi %iota3A, %add3A_65 : vector<16xi32>
        %masked_sort3A_67 = arith.constant dense<true> : vector<16xi1>
        %masked_sort3A_68, %masked_sort3A_69, %masked_sort3A_70 = tpu.sort %get3A_63, %add3A_66 masked %masked_sort3A_67 {descending = true} : (vector<16xf32>, vector<16xi32>, vector<16xi1>) -> (vector<16xi1>, vector<16xf32>, vector<16xi32>)
        %get3A_71 = arith.index_cast %scan3A_18 : i32 to index
        %get3A_72 = arith.constant 32 : index
        %get3A_73 = tpu.vector_load %arg4[%get3A_71, %get3A_72] {strides = array<i32>} : memref<512x64xf32, #tpu.memory_space<vmem>>, vector<16xf32>,
        %add3A_74 = arith.constant 32 : i32
        %add3A_75 = vector.broadcast %add3A_74 : i32 to vector<16xi32>
        %add3A_76 = arith.addi %iota3A, %add3A_75 : vector<16xi32>
        %masked_sort3A_77 = arith.constant dense<true> : vector<16xi1>
        %masked_sort3A_78, %masked_sort3A_79, %masked_sort3A_80 = tpu.sort %get3A_73, %add3A_76 masked %masked_sort3A_77 {descending = true} : (vector<16xf32>, vector<16xi32>, vector<16xi1>) -> (vector<16xi1>, vector<16xf32>, vector<16xi32>)
        %get3A_81 = arith.index_cast %scan3A_18 : i32 to index
        %get3A_82 = arith.constant 48 : index
        %get3A_83 = tpu.vector_load %arg4[%get3A_81, %get3A_82] {strides = array<i32>} : memref<512x64xf32, #tpu.memory_space<vmem>>, vector<16xf32>,
        %add3A_84 = arith.constant 48 : i32
        %add3A_85 = vector.broadcast %add3A_84 : i32 to vector<16xi32>
        %add3A_86 = arith.addi %iota3A, %add3A_85 : vector<16xi32>
        %masked_sort3A_87 = arith.constant dense<true> : vector<16xi1>
        %masked_sort3A_88, %masked_sort3A_89, %masked_sort3A_90 = tpu.sort %get3A_83, %add3A_86 masked %masked_sort3A_87 {descending = true} : (vector<16xf32>, vector<16xi32>, vector<16xi1>) -> (vector<16xi1>, vector<16xf32>, vector<16xi32>)
        %rev3A = arith.constant 15 : i32
        %rev3A_91 = vector.broadcast %rev3A : i32 to vector<16xi32>
        %rev3A_92 = tpu.iota {dimensions = array<i32: 0>} : vector<16xi32>
        %rev3A_93 = arith.subi %rev3A_91, %rev3A_92 : vector<16xi32>
        %rev3A_94 = tpu.dynamic_gather %masked_sort3A_69[%rev3A_93] in [0] : vector<16xf32>, vector<16xi32> -> vector<16xf32>
        %rev3A_95 = arith.constant 15 : i32
        %rev3A_96 = vector.broadcast %rev3A_95 : i32 to vector<16xi32>
        %rev3A_97 = tpu.iota {dimensions = array<i32: 0>} : vector<16xi32>
        %rev3A_98 = arith.subi %rev3A_96, %rev3A_97 : vector<16xi32>
        %rev3A_99 = tpu.dynamic_gather %masked_sort3A_70[%rev3A_98] in [0] : vector<16xi32>, vector<16xi32> -> vector<16xi32>
        %ge3A = arith.cmpf oge, %masked_sort3A_59, %rev3A_94 : vector<16xf32>
        %select_n3A_100 = arith.select %ge3A, %masked_sort3A_59, %rev3A_94 : vector<16xi1>, vector<16xf32>
        %select_n3A_101 = arith.select %ge3A, %masked_sort3A_60, %rev3A_99 : vector<16xi1>, vector<16xi32>
        %masked_sort3A_102 = arith.constant dense<true> : vector<16xi1>
        %masked_sort3A_103, %masked_sort3A_104, %masked_sort3A_105 = tpu.sort %select_n3A_100, %select_n3A_101 masked %masked_sort3A_102 {descending = true} : (vector<16xf32>, vector<16xi32>, vector<16xi1>) -> (vector<16xi1>, vector<16xf32>, vector<16xi32>)
        %rev3A_106 = arith.constant 15 : i32
        %rev3A_107 = vector.broadcast %rev3A_106 : i32 to vector<16xi32>
        %rev3A_108 = tpu.iota {dimensions = array<i32: 0>} : vector<16xi32>
        %rev3A_109 = arith.subi %rev3A_107, %rev3A_108 : vector<16xi32>
        %rev3A_110 = tpu.dynamic_gather %masked_sort3A_89[%rev3A_109] in [0] : vector<16xf32>, vector<16xi32> -> vector<16xf32>
        %rev3A_111 = arith.constant 15 : i32
        %rev3A_112 = vector.broadcast %rev3A_111 : i32 to vector<16xi32>
        %rev3A_113 = tpu.iota {dimensions = array<i32: 0>} : vector<16xi32>
        %rev3A_114 = arith.subi %rev3A_112, %rev3A_113 : vector<16xi32>
        %rev3A_115 = tpu.dynamic_gather %masked_sort3A_90[%rev3A_114] in [0] : vector<16xi32>, vector<16xi32> -> vector<16xi32>
        %ge3A_116 = arith.cmpf oge, %masked_sort3A_79, %rev3A_110 : vector<16xf32>
        %select_n3A_117 = arith.select %ge3A_116, %masked_sort3A_79, %rev3A_110 : vector<16xi1>, vector<16xf32>
        %select_n3A_118 = arith.select %ge3A_116, %masked_sort3A_80, %rev3A_115 : vector<16xi1>, vector<16xi32>
        %masked_sort3A_119 = arith.constant dense<true> : vector<16xi1>
        %masked_sort3A_120, %masked_sort3A_121, %masked_sort3A_122 = tpu.sort %select_n3A_117, %select_n3A_118 masked %masked_sort3A_119 {descending = true} : (vector<16xf32>, vector<16xi32>, vector<16xi1>) -> (vector<16xi1>, vector<16xf32>, vector<16xi32>)
        %rev3A_123 = arith.constant 15 : i32
        %rev3A_124 = vector.broadcast %rev3A_123 : i32 to vector<16xi32>
        %rev3A_125 = tpu.iota {dimensions = array<i32: 0>} : vector<16xi32>
        %rev3A_126 = arith.subi %rev3A_124, %rev3A_125 : vector<16xi32>
        %rev3A_127 = tpu.dynamic_gather %masked_sort3A_121[%rev3A_126] in [0] : vector<16xf32>, vector<16xi32> -> vector<16xf32>
        %rev3A_128 = arith.constant 15 : i32
        %rev3A_129 = vector.broadcast %rev3A_128 : i32 to vector<16xi32>
        %rev3A_130 = tpu.iota {dimensions = array<i32: 0>} : vector<16xi32>
        %rev3A_131 = arith.subi %rev3A_129, %rev3A_130 : vector<16xi32>
        %rev3A_132 = tpu.dynamic_gather %masked_sort3A_122[%rev3A_131] in [0] : vector<16xi32>, vector<16xi32> -> vector<16xi32>
        %ge3A_133 = arith.cmpf oge, %masked_sort3A_104, %rev3A_127 : vector<16xf32>
        %select_n3A_134 = arith.select %ge3A_133, %masked_sort3A_104, %rev3A_127 : vector<16xi1>, vector<16xf32>
        %select_n3A_135 = arith.select %ge3A_133, %masked_sort3A_105, %rev3A_132 : vector<16xi1>, vector<16xi32>
        %masked_sort3A_136 = arith.constant dense<true> : vector<16xi1>
        %masked_sort3A_137, %masked_sort3A_138, %masked_sort3A_139 = tpu.sort %select_n3A_134, %select_n3A_135 masked %masked_sort3A_136 {descending = true} : (vector<16xf32>, vector<16xi32>, vector<16xi1>) -> (vector<16xi1>, vector<16xf32>, vector<16xi32>)
        %masked_sort3A_140 = arith.constant dense<true> : vector<16xi1>
        %masked_sort3A_141 = arith.constant -2147483648 : i32
        %masked_sort3A_142 = vector.broadcast %masked_sort3A_141 : i32 to vector<16xi32>
        %masked_sort3A_143 = arith.xori %masked_sort3A_139, %masked_sort3A_142 : vector<16xi32>
        %masked_sort3A_144, %masked_sort3A_145, %masked_sort3A_146 = tpu.sort %masked_sort3A_143, %masked_sort3A_139 masked %masked_sort3A_140 : (vector<16xi32>, vector<16xi32>, vector<16xi1>) -> (vector<16xi1>, vector<16xi32>, vector<16xi32>)
        %masked_sort3A_147 = arith.xori %masked_sort3A_145, %masked_sort3A_142 : vector<16xi32>
        %lt3A_148 = vector.broadcast %max3A_52 : i32 to vector<16xi32>
        %lt3A_149 = arith.cmpi slt, %masked_sort3A_147, %lt3A_148 : vector<16xi32>
        %all_reduce_population_count3A = tpu.all_reduce %lt3A_149 {dim = 0 : i64, kind = #tpu.reduction_kind<sum>} : vector<16xi1> -> vector<16xi32>
        %lt3A_150 = vector.broadcast %select_n3A_49 : i32 to vector<16xi32>
        %lt3A_151 = arith.cmpi slt, %masked_sort3A_147, %lt3A_150 : vector<16xi32>
        %all_reduce_population_count3A_152 = tpu.all_reduce %lt3A_151 {dim = 0 : i64, kind = #tpu.reduction_kind<sum>} : vector<16xi1> -> vector<16xi32>
        %add3A_153 = arith.constant 1 : i32
        %add3A_154 = vector.broadcast %add3A_153 : i32 to vector<16xi32>
        %add3A_155 = arith.addi %all_reduce_population_count3A_152, %add3A_154 : vector<16xi32>
        %gt3A = arith.cmpi sgt, %iota3A, %all_reduce_population_count3A : vector<16xi32>
        %jit3A_156 = arith.constant 1 : i32
        %jit3A_157 = arith.constant 0 : i32
        %broadcast_in_dim3A = vector.broadcast %jit3A_156 : i32 to vector<16xi32>
        %broadcast_in_dim3A_158 = vector.broadcast %jit3A_157 : i32 to vector<16xi32>
        %select_n3A_159 = arith.select %gt3A, %broadcast_in_dim3A, %broadcast_in_dim3A_158 : vector<16xi1>, vector<16xi32>
        %gt3A_160 = arith.cmpi sgt, %iota3A, %add3A_155 : vector<16xi32>
        %jit3A_161 = arith.constant 1 : i32
        %jit3A_162 = arith.constant 0 : i32
        %broadcast_in_dim3A_163 = vector.broadcast %jit3A_161 : i32 to vector<16xi32>
        %broadcast_in_dim3A_164 = vector.broadcast %jit3A_162 : i32 to vector<16xi32>
        %select_n3A_165 = arith.select %gt3A_160, %broadcast_in_dim3A_163, %broadcast_in_dim3A_164 : vector<16xi1>, vector<16xi32>
        %add3A_166 = arith.addi %select_n3A_159, %select_n3A_165 : vector<16xi32>
        %sub3A_167 = arith.subi %iota3A, %add3A_166 : vector<16xi32>
        %broadcast_in_dim3A_168 = vector.shape_cast %sub3A_167 : vector<16xi32> to vector<16x1xi32>
        %gather3A = vector.shape_cast %broadcast_in_dim3A_168 : vector<16x1xi32> to vector<16xi32>
        %gather3A_169 = tpu.dynamic_gather %masked_sort3A_147[%gather3A] in [0] : vector<16xi32>, vector<16xi32> -> vector<16xi32>
        %eq3A_170 = arith.cmpi eq, %iota3A, %all_reduce_population_count3A : vector<16xi32>
        %eq3A_171 = arith.cmpi eq, %iota3A, %add3A_155 : vector<16xi32>
        %broadcast_in_dim3A_172 = vector.broadcast %select_n3A_49 : i32 to vector<16xi32>
        %select_n3A_173 = arith.select %eq3A_171, %broadcast_in_dim3A_172, %gather3A_169 : vector<16xi1>, vector<16xi32>
        %broadcast_in_dim3A_174 = vector.broadcast %max3A_52 : i32 to vector<16xi32>
        %select_n3A_175 = arith.select %eq3A_170, %broadcast_in_dim3A_174, %select_n3A_173 : vector<16xi1>, vector<16xi32>
        %swap3A = arith.index_cast %scan3A_18 : i32 to index
        %swap3A_176 = arith.constant 0 : index
        %swap3A_177 = tpu.vector_load %arg5[%swap3A, %swap3A_176] {strides = array<i32>} : memref<512x16xi32, #tpu.memory_space<vmem>>, vector<16xi32>,
        tpu.vector_store %arg5[%swap3A, %swap3A_176], %select_n3A_175 {strides = array<i32>} : memref<512x16xi32, #tpu.memory_space<vmem>>, vector<16xi32>,
        %scan3A_178 = arith.constant 1 : i32
        %scan3A_179 = arith.addi %scan3A_18, %scan3A_178 : i32
        %add3A_180 = arith.addi %add3A_11, %scan3A_179 : i32
        %jit3A_181 = arith.constant 4096 : i32
        %eq3A_182 = arith.constant 0 : i32
        %eq3A_183 = arith.cmpi eq, %jit3A_181, %eq3A_182 : i32
        %jit3A_184 = arith.constant 1 : i32
        %select_n3A_185 = arith.select %eq3A_183, %jit3A_184, %jit3A_181 : i32
        %rem3A_186 = arith.remsi %add3A_180, %select_n3A_185 : i32
        %ne3A_187 = arith.constant 0 : i32
        %ne3A_188 = arith.cmpi ne, %rem3A_186, %ne3A_187 : i32
        %lt3A_189 = arith.constant 0 : i32
        %lt3A_190 = arith.cmpi slt, %rem3A_186, %lt3A_189 : i32
        %lt3A_191 = arith.constant 0 : i32
        %lt3A_192 = arith.cmpi slt, %select_n3A_185, %lt3A_191 : i32
        %ne3A_193 = arith.xori %lt3A_190, %lt3A_192 : i1
        %and3A_194 = arith.andi %ne3A_193, %ne3A_188 : i1
        %add3A_195 = arith.addi %rem3A_186, %select_n3A_185 : i32
        %select_n3A_196 = arith.select %and3A_194, %add3A_195, %rem3A_186 : i32
        %jit3A_197 = arith.constant 64 : i32
        %div3A_198 = arith.divsi %select_n3A_196, %jit3A_197 : i32
        %sign3A_199 = arith.constant 0 : i32
        %sign3A_200 = arith.cmpi sgt, %select_n3A_196, %sign3A_199 : i32
        %sign3A_201 = arith.extui %sign3A_200 : i1 to i32
        %sign3A_202 = arith.constant 0 : i32
        %sign3A_203 = arith.cmpi slt, %select_n3A_196, %sign3A_202 : i32
        %sign3A_204 = arith.extui %sign3A_203 : i1 to i32
        %sign3A_205 = arith.subi %sign3A_201, %sign3A_204 : i32
        %sign3A_206 = arith.constant 0 : i32
        %sign3A_207 = arith.cmpi sgt, %jit3A_197, %sign3A_206 : i32
        %sign3A_208 = arith.extui %sign3A_207 : i1 to i32
        %sign3A_209 = arith.constant 0 : i32
        %sign3A_210 = arith.cmpi slt, %jit3A_197, %sign3A_209 : i32
        %sign3A_211 = arith.extui %sign3A_210 : i1 to i32
        %sign3A_212 = arith.subi %sign3A_208, %sign3A_211 : i32
        %ne3A_213 = arith.cmpi ne, %sign3A_205, %sign3A_212 : i32
        %rem3A_214 = arith.remsi %select_n3A_196, %jit3A_197 : i32
        %ne3A_215 = arith.constant 0 : i32
        %ne3A_216 = arith.cmpi ne, %rem3A_214, %ne3A_215 : i32
        %and3A_217 = arith.andi %ne3A_213, %ne3A_216 : i1
        %sub3A_218 = arith.constant 1 : i32
        %sub3A_219 = arith.subi %div3A_198, %sub3A_218 : i32
        %select_n3A_220 = arith.select %and3A_217, %sub3A_219, %div3A_198 : i32
        %sub3A_221 = arith.constant 1 : i32
        %sub3A_222 = arith.subi %select_n3A_220, %sub3A_221 : i32
        %max3A_223 = arith.constant 0 : i32
        %max3A_224 = arith.maxsi %sub3A_222, %max3A_223 : i32
        %get3A_225 = arith.index_cast %scan3A_179 : i32 to index
        %get3A_226 = arith.constant 0 : index
        %get3A_227 = tpu.vector_load %arg4[%get3A_225, %get3A_226] {strides = array<i32>} : memref<512x64xf32, #tpu.memory_space<vmem>>, vector<16xf32>,
        %add3A_228 = arith.constant 0 : i32
        %add3A_229 = vector.broadcast %add3A_228 : i32 to vector<16xi32>
        %add3A_230 = arith.addi %iota3A, %add3A_229 : vector<16xi32>
        %masked_sort3A_231 = arith.constant dense<true> : vector<16xi1>
        %masked_sort3A_232, %masked_sort3A_233, %masked_sort3A_234 = tpu.sort %get3A_227, %add3A_230 masked %masked_sort3A_231 {descending = true} : (vector<16xf32>, vector<16xi32>, vector<16xi1>) -> (vector<16xi1>, vector<16xf32>, vector<16xi32>)
        %get3A_235 = arith.index_cast %scan3A_179 : i32 to index
        %get3A_236 = arith.constant 16 : index
        %get3A_237 = tpu.vector_load %arg4[%get3A_235, %get3A_236] {strides = array<i32>} : memref<512x64xf32, #tpu.memory_space<vmem>>, vector<16xf32>,
        %add3A_238 = arith.constant 16 : i32
        %add3A_239 = vector.broadcast %add3A_238 : i32 to vector<16xi32>
        %add3A_240 = arith.addi %iota3A, %add3A_239 : vector<16xi32>
        %masked_sort3A_241 = arith.constant dense<true> : vector<16xi1>
        %masked_sort3A_242, %masked_sort3A_243, %masked_sort3A_244 = tpu.sort %get3A_237, %add3A_240 masked %masked_sort3A_241 {descending = true} : (vector<16xf32>, vector<16xi32>, vector<16xi1>) -> (vector<16xi1>, vector<16xf32>, vector<16xi32>)
        %get3A_245 = arith.index_cast %scan3A_179 : i32 to index
        %get3A_246 = arith.constant 32 : index
        %get3A_247 = tpu.vector_load %arg4[%get3A_245, %get3A_246] {strides = array<i32>} : memref<512x64xf32, #tpu.memory_space<vmem>>, vector<16xf32>,
        %add3A_248 = arith.constant 32 : i32
        %add3A_249 = vector.broadcast %add3A_248 : i32 to vector<16xi32>
        %add3A_250 = arith.addi %iota3A, %add3A_249 : vector<16xi32>
        %masked_sort3A_251 = arith.constant dense<true> : vector<16xi1>
        %masked_sort3A_252, %masked_sort3A_253, %masked_sort3A_254 = tpu.sort %get3A_247, %add3A_250 masked %masked_sort3A_251 {descending = true} : (vector<16xf32>, vector<16xi32>, vector<16xi1>) -> (vector<16xi1>, vector<16xf32>, vector<16xi32>)
        %get3A_255 = arith.index_cast %scan3A_179 : i32 to index
        %get3A_256 = arith.constant 48 : index
        %get3A_257 = tpu.vector_load %arg4[%get3A_255, %get3A_256] {strides = array<i32>} : memref<512x64xf32, #tpu.memory_space<vmem>>, vector<16xf32>,
        %add3A_258 = arith.constant 48 : i32
        %add3A_259 = vector.broadcast %add3A_258 : i32 to vector<16xi32>
        %add3A_260 = arith.addi %iota3A, %add3A_259 : vector<16xi32>
        %masked_sort3A_261 = arith.constant dense<true> : vector<16xi1>
        %masked_sort3A_262, %masked_sort3A_263, %masked_sort3A_264 = tpu.sort %get3A_257, %add3A_260 masked %masked_sort3A_261 {descending = true} : (vector<16xf32>, vector<16xi32>, vector<16xi1>) -> (vector<16xi1>, vector<16xf32>, vector<16xi32>)
        %rev3A_265 = arith.constant 15 : i32
        %rev3A_266 = vector.broadcast %rev3A_265 : i32 to vector<16xi32>
        %rev3A_267 = tpu.iota {dimensions = array<i32: 0>} : vector<16xi32>
        %rev3A_268 = arith.subi %rev3A_266, %rev3A_267 : vector<16xi32>
        %rev3A_269 = tpu.dynamic_gather %masked_sort3A_243[%rev3A_268] in [0] : vector<16xf32>, vector<16xi32> -> vector<16xf32>
        %rev3A_270 = arith.constant 15 : i32
        %rev3A_271 = vector.broadcast %rev3A_270 : i32 to vector<16xi32>
        %rev3A_272 = tpu.iota {dimensions = array<i32: 0>} : vector<16xi32>
        %rev3A_273 = arith.subi %rev3A_271, %rev3A_272 : vector<16xi32>
        %rev3A_274 = tpu.dynamic_gather %masked_sort3A_244[%rev3A_273] in [0] : vector<16xi32>, vector<16xi32> -> vector<16xi32>
        %ge3A_275 = arith.cmpf oge, %masked_sort3A_233, %rev3A_269 : vector<16xf32>
        %select_n3A_276 = arith.select %ge3A_275, %masked_sort3A_233, %rev3A_269 : vector<16xi1>, vector<16xf32>
        %select_n3A_277 = arith.select %ge3A_275, %masked_sort3A_234, %rev3A_274 : vector<16xi1>, vector<16xi32>
        %masked_sort3A_278 = arith.constant dense<true> : vector<16xi1>
        %masked_sort3A_279, %masked_sort3A_280, %masked_sort3A_281 = tpu.sort %select_n3A_276, %select_n3A_277 masked %masked_sort3A_278 {descending = true} : (vector<16xf32>, vector<16xi32>, vector<16xi1>) -> (vector<16xi1>, vector<16xf32>, vector<16xi32>)
        %rev3A_282 = arith.constant 15 : i32
        %rev3A_283 = vector.broadcast %rev3A_282 : i32 to vector<16xi32>
        %rev3A_284 = tpu.iota {dimensions = array<i32: 0>} : vector<16xi32>
        %rev3A_285 = arith.subi %rev3A_283, %rev3A_284 : vector<16xi32>
        %rev3A_286 = tpu.dynamic_gather %masked_sort3A_263[%rev3A_285] in [0] : vector<16xf32>, vector<16xi32> -> vector<16xf32>
        %rev3A_287 = arith.constant 15 : i32
        %rev3A_288 = vector.broadcast %rev3A_287 : i32 to vector<16xi32>
        %rev3A_289 = tpu.iota {dimensions = array<i32: 0>} : vector<16xi32>
        %rev3A_290 = arith.subi %rev3A_288, %rev3A_289 : vector<16xi32>
        %rev3A_291 = tpu.dynamic_gather %masked_sort3A_264[%rev3A_290] in [0] : vector<16xi32>, vector<16xi32> -> vector<16xi32>
        %ge3A_292 = arith.cmpf oge, %masked_sort3A_253, %rev3A_286 : vector<16xf32>
        %select_n3A_293 = arith.select %ge3A_292, %masked_sort3A_253, %rev3A_286 : vector<16xi1>, vector<16xf32>
        %select_n3A_294 = arith.select %ge3A_292, %masked_sort3A_254, %rev3A_291 : vector<16xi1>, vector<16xi32>
        %masked_sort3A_295 = arith.constant dense<true> : vector<16xi1>
        %masked_sort3A_296, %masked_sort3A_297, %masked_sort3A_298 = tpu.sort %select_n3A_293, %select_n3A_294 masked %masked_sort3A_295 {descending = true} : (vector<16xf32>, vector<16xi32>, vector<16xi1>) -> (vector<16xi1>, vector<16xf32>, vector<16xi32>)
        %rev3A_299 = arith.constant 15 : i32
        %rev3A_300 = vector.broadcast %rev3A_299 : i32 to vector<16xi32>
        %rev3A_301 = tpu.iota {dimensions = array<i32: 0>} : vector<16xi32>
        %rev3A_302 = arith.subi %rev3A_300, %rev3A_301 : vector<16xi32>
        %rev3A_303 = tpu.dynamic_gather %masked_sort3A_297[%rev3A_302] in [0] : vector<16xf32>, vector<16xi32> -> vector<16xf32>
        %rev3A_304 = arith.constant 15 : i32
        %rev3A_305 = vector.broadcast %rev3A_304 : i32 to vector<16xi32>
        %rev3A_306 = tpu.iota {dimensions = array<i32: 0>} : vector<16xi32>
        %rev3A_307 = arith.subi %rev3A_305, %rev3A_306 : vector<16xi32>
        %rev3A_308 = tpu.dynamic_gather %masked_sort3A_298[%rev3A_307] in [0] : vector<16xi32>, vector<16xi32> -> vector<16xi32>
        %ge3A_309 = arith.cmpf oge, %masked_sort3A_280, %rev3A_303 : vector<16xf32>
        %select_n3A_310 = arith.select %ge3A_309, %masked_sort3A_280, %rev3A_303 : vector<16xi1>, vector<16xf32>
        %select_n3A_311 = arith.select %ge3A_309, %masked_sort3A_281, %rev3A_308 : vector<16xi1>, vector<16xi32>
        %masked_sort3A_312 = arith.constant dense<true> : vector<16xi1>
        %masked_sort3A_313, %masked_sort3A_314, %masked_sort3A_315 = tpu.sort %select_n3A_310, %select_n3A_311 masked %masked_sort3A_312 {descending = true} : (vector<16xf32>, vector<16xi32>, vector<16xi1>) -> (vector<16xi1>, vector<16xf32>, vector<16xi32>)
        %masked_sort3A_316 = arith.constant dense<true> : vector<16xi1>
        %masked_sort3A_317 = arith.constant -2147483648 : i32
        %masked_sort3A_318 = vector.broadcast %masked_sort3A_317 : i32 to vector<16xi32>
        %masked_sort3A_319 = arith.xori %masked_sort3A_315, %masked_sort3A_318 : vector<16xi32>
        %masked_sort3A_320, %masked_sort3A_321, %masked_sort3A_322 = tpu.sort %masked_sort3A_319, %masked_sort3A_315 masked %masked_sort3A_316 : (vector<16xi32>, vector<16xi32>, vector<16xi1>) -> (vector<16xi1>, vector<16xi32>, vector<16xi32>)
        %masked_sort3A_323 = arith.xori %masked_sort3A_321, %masked_sort3A_318 : vector<16xi32>
        %lt3A_324 = vector.broadcast %max3A_224 : i32 to vector<16xi32>
        %lt3A_325 = arith.cmpi slt, %masked_sort3A_323, %lt3A_324 : vector<16xi32>
        %all_reduce_population_count3A_326 = tpu.all_reduce %lt3A_325 {dim = 0 : i64, kind = #tpu.reduction_kind<sum>} : vector<16xi1> -> vector<16xi32>
        %lt3A_327 = vector.broadcast %select_n3A_220 : i32 to vector<16xi32>
        %lt3A_328 = arith.cmpi slt, %masked_sort3A_323, %lt3A_327 : vector<16xi32>
        %all_reduce_population_count3A_329 = tpu.all_reduce %lt3A_328 {dim = 0 : i64, kind = #tpu.reduction_kind<sum>} : vector<16xi1> -> vector<16xi32>
        %add3A_330 = arith.constant 1 : i32
        %add3A_331 = vector.broadcast %add3A_330 : i32 to vector<16xi32>
        %add3A_332 = arith.addi %all_reduce_population_count3A_329, %add3A_331 : vector<16xi32>
        %gt3A_333 = arith.cmpi sgt, %iota3A, %all_reduce_population_count3A_326 : vector<16xi32>
        %jit3A_334 = arith.constant 1 : i32
        %jit3A_335 = arith.constant 0 : i32
        %broadcast_in_dim3A_336 = vector.broadcast %jit3A_334 : i32 to vector<16xi32>
        %broadcast_in_dim3A_337 = vector.broadcast %jit3A_335 : i32 to vector<16xi32>
        %select_n3A_338 = arith.select %gt3A_333, %broadcast_in_dim3A_336, %broadcast_in_dim3A_337 : vector<16xi1>, vector<16xi32>
        %gt3A_339 = arith.cmpi sgt, %iota3A, %add3A_332 : vector<16xi32>
        %jit3A_340 = arith.constant 1 : i32
        %jit3A_341 = arith.constant 0 : i32
        %broadcast_in_dim3A_342 = vector.broadcast %jit3A_340 : i32 to vector<16xi32>
        %broadcast_in_dim3A_343 = vector.broadcast %jit3A_341 : i32 to vector<16xi32>
        %select_n3A_344 = arith.select %gt3A_339, %broadcast_in_dim3A_342, %broadcast_in_dim3A_343 : vector<16xi1>, vector<16xi32>
        %add3A_345 = arith.addi %select_n3A_338, %select_n3A_344 : vector<16xi32>
        %sub3A_346 = arith.subi %iota3A, %add3A_345 : vector<16xi32>
        %broadcast_in_dim3A_347 = vector.shape_cast %sub3A_346 : vector<16xi32> to vector<16x1xi32>
        %gather3A_348 = vector.shape_cast %broadcast_in_dim3A_347 : vector<16x1xi32> to vector<16xi32>
        %gather3A_349 = tpu.dynamic_gather %masked_sort3A_323[%gather3A_348] in [0] : vector<16xi32>, vector<16xi32> -> vector<16xi32>
        %eq3A_350 = arith.cmpi eq, %iota3A, %all_reduce_population_count3A_326 : vector<16xi32>
        %eq3A_351 = arith.cmpi eq, %iota3A, %add3A_332 : vector<16xi32>
        %broadcast_in_dim3A_352 = vector.broadcast %select_n3A_220 : i32 to vector<16xi32>
        %select_n3A_353 = arith.select %eq3A_351, %broadcast_in_dim3A_352, %gather3A_349 : vector<16xi1>, vector<16xi32>
        %broadcast_in_dim3A_354 = vector.broadcast %max3A_224 : i32 to vector<16xi32>
        %select_n3A_355 = arith.select %eq3A_350, %broadcast_in_dim3A_354, %select_n3A_353 : vector<16xi1>, vector<16xi32>
        %swap3A_356 = arith.index_cast %scan3A_179 : i32 to index
        %swap3A_357 = arith.constant 0 : index
        %swap3A_358 = tpu.vector_load %arg5[%swap3A_356, %swap3A_357] {strides = array<i32>} : memref<512x16xi32, #tpu.memory_space<vmem>>, vector<16xi32>,
        tpu.vector_store %arg5[%swap3A_356, %swap3A_357], %select_n3A_355 {strides = array<i32>} : memref<512x16xi32, #tpu.memory_space<vmem>>, vector<16xi32>,
        %scan3A_359 = arith.constant 2 : i32
        %scan3A_360 = arith.addi %scan3A_18, %scan3A_359 : i32
        %add3A_361 = arith.addi %add3A_11, %scan3A_360 : i32
        %jit3A_362 = arith.constant 4096 : i32
        %eq3A_363 = arith.constant 0 : i32
        %eq3A_364 = arith.cmpi eq, %jit3A_362, %eq3A_363 : i32
        %jit3A_365 = arith.constant 1 : i32
        %select_n3A_366 = arith.select %eq3A_364, %jit3A_365, %jit3A_362 : i32
        %rem3A_367 = arith.remsi %add3A_361, %select_n3A_366 : i32
        %ne3A_368 = arith.constant 0 : i32
        %ne3A_369 = arith.cmpi ne, %rem3A_367, %ne3A_368 : i32
        %lt3A_370 = arith.constant 0 : i32
        %lt3A_371 = arith.cmpi slt, %rem3A_367, %lt3A_370 : i32
        %lt3A_372 = arith.constant 0 : i32
        %lt3A_373 = arith.cmpi slt, %select_n3A_366, %lt3A_372 : i32
        %ne3A_374 = arith.xori %lt3A_371, %lt3A_373 : i1
        %and3A_375 = arith.andi %ne3A_374, %ne3A_369 : i1
        %add3A_376 = arith.addi %rem3A_367, %select_n3A_366 : i32
        %select_n3A_377 = arith.select %and3A_375, %add3A_376, %rem3A_367 : i32
        %jit3A_378 = arith.constant 64 : i32
        %div3A_379 = arith.divsi %select_n3A_377, %jit3A_378 : i32
        %sign3A_380 = arith.constant 0 : i32
        %sign3A_381 = arith.cmpi sgt, %select_n3A_377, %sign3A_380 : i32
        %sign3A_382 = arith.extui %sign3A_381 : i1 to i32
        %sign3A_383 = arith.constant 0 : i32
        %sign3A_384 = arith.cmpi slt, %select_n3A_377, %sign3A_383 : i32
        %sign3A_385 = arith.extui %sign3A_384 : i1 to i32
        %sign3A_386 = arith.subi %sign3A_382, %sign3A_385 : i32
        %sign3A_387 = arith.constant 0 : i32
        %sign3A_388 = arith.cmpi sgt, %jit3A_378, %sign3A_387 : i32
        %sign3A_389 = arith.extui %sign3A_388 : i1 to i32
        %sign3A_390 = arith.constant 0 : i32
        %sign3A_391 = arith.cmpi slt, %jit3A_378, %sign3A_390 : i32
        %sign3A_392 = arith.extui %sign3A_391 : i1 to i32
        %sign3A_393 = arith.subi %sign3A_389, %sign3A_392 : i32
        %ne3A_394 = arith.cmpi ne, %sign3A_386, %sign3A_393 : i32
        %rem3A_395 = arith.remsi %select_n3A_377, %jit3A_378 : i32
        %ne3A_396 = arith.constant 0 : i32
        %ne3A_397 = arith.cmpi ne, %rem3A_395, %ne3A_396 : i32
        %and3A_398 = arith.andi %ne3A_394, %ne3A_397 : i1
        %sub3A_399 = arith.constant 1 : i32
        %sub3A_400 = arith.subi %div3A_379, %sub3A_399 : i32
        %select_n3A_401 = arith.select %and3A_398, %sub3A_400, %div3A_379 : i32
        %sub3A_402 = arith.constant 1 : i32
        %sub3A_403 = arith.subi %select_n3A_401, %sub3A_402 : i32
        %max3A_404 = arith.constant 0 : i32
        %max3A_405 = arith.maxsi %sub3A_403, %max3A_404 : i32
        %get3A_406 = arith.index_cast %scan3A_360 : i32 to index
        %get3A_407 = arith.constant 0 : index
        %get3A_408 = tpu.vector_load %arg4[%get3A_406, %get3A_407] {strides = array<i32>} : memref<512x64xf32, #tpu.memory_space<vmem>>, vector<16xf32>,
        %add3A_409 = arith.constant 0 : i32
        %add3A_410 = vector.broadcast %add3A_409 : i32 to vector<16xi32>
        %add3A_411 = arith.addi %iota3A, %add3A_410 : vector<16xi32>
        %masked_sort3A_412 = arith.constant dense<true> : vector<16xi1>
        %masked_sort3A_413, %masked_sort3A_414, %masked_sort3A_415 = tpu.sort %get3A_408, %add3A_411 masked %masked_sort3A_412 {descending = true} : (vector<16xf32>, vector<16xi32>, vector<16xi1>) -> (vector<16xi1>, vector<16xf32>, vector<16xi32>)
        %get3A_416 = arith.index_cast %scan3A_360 : i32 to index
        %get3A_417 = arith.constant 16 : index
        %get3A_418 = tpu.vector_load %arg4[%get3A_416, %get3A_417] {strides = array<i32>} : memref<512x64xf32, #tpu.memory_space<vmem>>, vector<16xf32>,
        %add3A_419 = arith.constant 16 : i32
        %add3A_420 = vector.broadcast %add3A_419 : i32 to vector<16xi32>
        %add3A_421 = arith.addi %iota3A, %add3A_420 : vector<16xi32>
        %masked_sort3A_422 = arith.constant dense<true> : vector<16xi1>
        %masked_sort3A_423, %masked_sort3A_424, %masked_sort3A_425 = tpu.sort %get3A_418, %add3A_421 masked %masked_sort3A_422 {descending = true} : (vector<16xf32>, vector<16xi32>, vector<16xi1>) -> (vector<16xi1>, vector<16xf32>, vector<16xi32>)
        %get3A_426 = arith.index_cast %scan3A_360 : i32 to index
        %get3A_427 = arith.constant 32 : index
        %get3A_428 = tpu.vector_load %arg4[%get3A_426, %get3A_427] {strides = array<i32>} : memref<512x64xf32, #tpu.memory_space<vmem>>, vector<16xf32>,
        %add3A_429 = arith.constant 32 : i32
        %add3A_430 = vector.broadcast %add3A_429 : i32 to vector<16xi32>
        %add3A_431 = arith.addi %iota3A, %add3A_430 : vector<16xi32>
        %masked_sort3A_432 = arith.constant dense<true> : vector<16xi1>
        %masked_sort3A_433, %masked_sort3A_434, %masked_sort3A_435 = tpu.sort %get3A_428, %add3A_431 masked %masked_sort3A_432 {descending = true} : (vector<16xf32>, vector<16xi32>, vector<16xi1>) -> (vector<16xi1>, vector<16xf32>, vector<16xi32>)
        %get3A_436 = arith.index_cast %scan3A_360 : i32 to index
        %get3A_437 = arith.constant 48 : index
        %get3A_438 = tpu.vector_load %arg4[%get3A_436, %get3A_437] {strides = array<i32>} : memref<512x64xf32, #tpu.memory_space<vmem>>, vector<16xf32>,
        %add3A_439 = arith.constant 48 : i32
        %add3A_440 = vector.broadcast %add3A_439 : i32 to vector<16xi32>
        %add3A_441 = arith.addi %iota3A, %add3A_440 : vector<16xi32>
        %masked_sort3A_442 = arith.constant dense<true> : vector<16xi1>
        %masked_sort3A_443, %masked_sort3A_444, %masked_sort3A_445 = tpu.sort %get3A_438, %add3A_441 masked %masked_sort3A_442 {descending = true} : (vector<16xf32>, vector<16xi32>, vector<16xi1>) -> (vector<16xi1>, vector<16xf32>, vector<16xi32>)
        %rev3A_446 = arith.constant 15 : i32
        %rev3A_447 = vector.broadcast %rev3A_446 : i32 to vector<16xi32>
        %rev3A_448 = tpu.iota {dimensions = array<i32: 0>} : vector<16xi32>
        %rev3A_449 = arith.subi %rev3A_447, %rev3A_448 : vector<16xi32>
        %rev3A_450 = tpu.dynamic_gather %masked_sort3A_424[%rev3A_449] in [0] : vector<16xf32>, vector<16xi32> -> vector<16xf32>
        %rev3A_451 = arith.constant 15 : i32
        %rev3A_452 = vector.broadcast %rev3A_451 : i32 to vector<16xi32>
        %rev3A_453 = tpu.iota {dimensions = array<i32: 0>} : vector<16xi32>
        %rev3A_454 = arith.subi %rev3A_452, %rev3A_453 : vector<16xi32>
        %rev3A_455 = tpu.dynamic_gather %masked_sort3A_425[%rev3A_454] in [0] : vector<16xi32>, vector<16xi32> -> vector<16xi32>
        %ge3A_456 = arith.cmpf oge, %masked_sort3A_414, %rev3A_450 : vector<16xf32>
        %select_n3A_457 = arith.select %ge3A_456, %masked_sort3A_414, %rev3A_450 : vector<16xi1>, vector<16xf32>
        %select_n3A_458 = arith.select %ge3A_456, %masked_sort3A_415, %rev3A_455 : vector<16xi1>, vector<16xi32>
        %masked_sort3A_459 = arith.constant dense<true> : vector<16xi1>
        %masked_sort3A_460, %masked_sort3A_461, %masked_sort3A_462 = tpu.sort %select_n3A_457, %select_n3A_458 masked %masked_sort3A_459 {descending = true} : (vector<16xf32>, vector<16xi32>, vector<16xi1>) -> (vector<16xi1>, vector<16xf32>, vector<16xi32>)
        %rev3A_463 = arith.constant 15 : i32
        %rev3A_464 = vector.broadcast %rev3A_463 : i32 to vector<16xi32>
        %rev3A_465 = tpu.iota {dimensions = array<i32: 0>} : vector<16xi32>
        %rev3A_466 = arith.subi %rev3A_464, %rev3A_465 : vector<16xi32>
        %rev3A_467 = tpu.dynamic_gather %masked_sort3A_444[%rev3A_466] in [0] : vector<16xf32>, vector<16xi32> -> vector<16xf32>
        %rev3A_468 = arith.constant 15 : i32
        %rev3A_469 = vector.broadcast %rev3A_468 : i32 to vector<16xi32>
        %rev3A_470 = tpu.iota {dimensions = array<i32: 0>} : vector<16xi32>
        %rev3A_471 = arith.subi %rev3A_469, %rev3A_470 : vector<16xi32>
        %rev3A_472 = tpu.dynamic_gather %masked_sort3A_445[%rev3A_471] in [0] : vector<16xi32>, vector<16xi32> -> vector<16xi32>
        %ge3A_473 = arith.cmpf oge, %masked_sort3A_434, %rev3A_467 : vector<16xf32>
        %select_n3A_474 = arith.select %ge3A_473, %masked_sort3A_434, %rev3A_467 : vector<16xi1>, vector<16xf32>
        %select_n3A_475 = arith.select %ge3A_473, %masked_sort3A_435, %rev3A_472 : vector<16xi1>, vector<16xi32>
        %masked_sort3A_476 = arith.constant dense<true> : vector<16xi1>
        %masked_sort3A_477, %masked_sort3A_478, %masked_sort3A_479 = tpu.sort %select_n3A_474, %select_n3A_475 masked %masked_sort3A_476 {descending = true} : (vector<16xf32>, vector<16xi32>, vector<16xi1>) -> (vector<16xi1>, vector<16xf32>, vector<16xi32>)
        %rev3A_480 = arith.constant 15 : i32
        %rev3A_481 = vector.broadcast %rev3A_480 : i32 to vector<16xi32>
        %rev3A_482 = tpu.iota {dimensions = array<i32: 0>} : vector<16xi32>
        %rev3A_483 = arith.subi %rev3A_481, %rev3A_482 : vector<16xi32>
        %rev3A_484 = tpu.dynamic_gather %masked_sort3A_478[%rev3A_483] in [0] : vector<16xf32>, vector<16xi32> -> vector<16xf32>
        %rev3A_485 = arith.constant 15 : i32
        %rev3A_486 = vector.broadcast %rev3A_485 : i32 to vector<16xi32>
        %rev3A_487 = tpu.iota {dimensions = array<i32: 0>} : vector<16xi32>
        %rev3A_488 = arith.subi %rev3A_486, %rev3A_487 : vector<16xi32>
        %rev3A_489 = tpu.dynamic_gather %masked_sort3A_479[%rev3A_488] in [0] : vector<16xi32>, vector<16xi32> -> vector<16xi32>
        %ge3A_490 = arith.cmpf oge, %masked_sort3A_461, %rev3A_484 : vector<16xf32>
        %select_n3A_491 = arith.select %ge3A_490, %masked_sort3A_461, %rev3A_484 : vector<16xi1>, vector<16xf32>
        %select_n3A_492 = arith.select %ge3A_490, %masked_sort3A_462, %rev3A_489 : vector<16xi1>, vector<16xi32>
        %masked_sort3A_493 = arith.constant dense<true> : vector<16xi1>
        %masked_sort3A_494, %masked_sort3A_495, %masked_sort3A_496 = tpu.sort %select_n3A_491, %select_n3A_492 masked %masked_sort3A_493 {descending = true} : (vector<16xf32>, vector<16xi32>, vector<16xi1>) -> (vector<16xi1>, vector<16xf32>, vector<16xi32>)
        %masked_sort3A_497 = arith.constant dense<true> : vector<16xi1>
        %masked_sort3A_498 = arith.constant -2147483648 : i32
        %masked_sort3A_499 = vector.broadcast %masked_sort3A_498 : i32 to vector<16xi32>
        %masked_sort3A_500 = arith.xori %masked_sort3A_496, %masked_sort3A_499 : vector<16xi32>
        %masked_sort3A_501, %masked_sort3A_502, %masked_sort3A_503 = tpu.sort %masked_sort3A_500, %masked_sort3A_496 masked %masked_sort3A_497 : (vector<16xi32>, vector<16xi32>, vector<16xi1>) -> (vector<16xi1>, vector<16xi32>, vector<16xi32>)
        %masked_sort3A_504 = arith.xori %masked_sort3A_502, %masked_sort3A_499 : vector<16xi32>
        %lt3A_505 = vector.broadcast %max3A_405 : i32 to vector<16xi32>
        %lt3A_506 = arith.cmpi slt, %masked_sort3A_504, %lt3A_505 : vector<16xi32>
        %all_reduce_population_count3A_507 = tpu.all_reduce %lt3A_506 {dim = 0 : i64, kind = #tpu.reduction_kind<sum>} : vector<16xi1> -> vector<16xi32>
        %lt3A_508 = vector.broadcast %select_n3A_401 : i32 to vector<16xi32>
        %lt3A_509 = arith.cmpi slt, %masked_sort3A_504, %lt3A_508 : vector<16xi32>
        %all_reduce_population_count3A_510 = tpu.all_reduce %lt3A_509 {dim = 0 : i64, kind = #tpu.reduction_kind<sum>} : vector<16xi1> -> vector<16xi32>
        %add3A_511 = arith.constant 1 : i32
        %add3A_512 = vector.broadcast %add3A_511 : i32 to vector<16xi32>
        %add3A_513 = arith.addi %all_reduce_population_count3A_510, %add3A_512 : vector<16xi32>
        %gt3A_514 = arith.cmpi sgt, %iota3A, %all_reduce_population_count3A_507 : vector<16xi32>
        %jit3A_515 = arith.constant 1 : i32
        %jit3A_516 = arith.constant 0 : i32
        %broadcast_in_dim3A_517 = vector.broadcast %jit3A_515 : i32 to vector<16xi32>
        %broadcast_in_dim3A_518 = vector.broadcast %jit3A_516 : i32 to vector<16xi32>
        %select_n3A_519 = arith.select %gt3A_514, %broadcast_in_dim3A_517, %broadcast_in_dim3A_518 : vector<16xi1>, vector<16xi32>
        %gt3A_520 = arith.cmpi sgt, %iota3A, %add3A_513 : vector<16xi32>
        %jit3A_521 = arith.constant 1 : i32
        %jit3A_522 = arith.constant 0 : i32
        %broadcast_in_dim3A_523 = vector.broadcast %jit3A_521 : i32 to vector<16xi32>
        %broadcast_in_dim3A_524 = vector.broadcast %jit3A_522 : i32 to vector<16xi32>
        %select_n3A_525 = arith.select %gt3A_520, %broadcast_in_dim3A_523, %broadcast_in_dim3A_524 : vector<16xi1>, vector<16xi32>
        %add3A_526 = arith.addi %select_n3A_519, %select_n3A_525 : vector<16xi32>
        %sub3A_527 = arith.subi %iota3A, %add3A_526 : vector<16xi32>
        %broadcast_in_dim3A_528 = vector.shape_cast %sub3A_527 : vector<16xi32> to vector<16x1xi32>
        %gather3A_529 = vector.shape_cast %broadcast_in_dim3A_528 : vector<16x1xi32> to vector<16xi32>
        %gather3A_530 = tpu.dynamic_gather %masked_sort3A_504[%gather3A_529] in [0] : vector<16xi32>, vector<16xi32> -> vector<16xi32>
        %eq3A_531 = arith.cmpi eq, %iota3A, %all_reduce_population_count3A_507 : vector<16xi32>
        %eq3A_532 = arith.cmpi eq, %iota3A, %add3A_513 : vector<16xi32>
        %broadcast_in_dim3A_533 = vector.broadcast %select_n3A_401 : i32 to vector<16xi32>
        %select_n3A_534 = arith.select %eq3A_532, %broadcast_in_dim3A_533, %gather3A_530 : vector<16xi1>, vector<16xi32>
        %broadcast_in_dim3A_535 = vector.broadcast %max3A_405 : i32 to vector<16xi32>
        %select_n3A_536 = arith.select %eq3A_531, %broadcast_in_dim3A_535, %select_n3A_534 : vector<16xi1>, vector<16xi32>
        %swap3A_537 = arith.index_cast %scan3A_360 : i32 to index
        %swap3A_538 = arith.constant 0 : index
        %swap3A_539 = tpu.vector_load %arg5[%swap3A_537, %swap3A_538] {strides = array<i32>} : memref<512x16xi32, #tpu.memory_space<vmem>>, vector<16xi32>,
        tpu.vector_store %arg5[%swap3A_537, %swap3A_538], %select_n3A_536 {strides = array<i32>} : memref<512x16xi32, #tpu.memory_space<vmem>>, vector<16xi32>,
        %scan3A_540 = arith.constant 3 : i32
        %scan3A_541 = arith.addi %scan3A_18, %scan3A_540 : i32
        %add3A_542 = arith.addi %add3A_11, %scan3A_541 : i32
        %jit3A_543 = arith.constant 4096 : i32
        %eq3A_544 = arith.constant 0 : i32
        %eq3A_545 = arith.cmpi eq, %jit3A_543, %eq3A_544 : i32
        %jit3A_546 = arith.constant 1 : i32
        %select_n3A_547 = arith.select %eq3A_545, %jit3A_546, %jit3A_543 : i32
        %rem3A_548 = arith.remsi %add3A_542, %select_n3A_547 : i32
        %ne3A_549 = arith.constant 0 : i32
        %ne3A_550 = arith.cmpi ne, %rem3A_548, %ne3A_549 : i32
        %lt3A_551 = arith.constant 0 : i32
        %lt3A_552 = arith.cmpi slt, %rem3A_548, %lt3A_551 : i32
        %lt3A_553 = arith.constant 0 : i32
        %lt3A_554 = arith.cmpi slt, %select_n3A_547, %lt3A_553 : i32
        %ne3A_555 = arith.xori %lt3A_552, %lt3A_554 : i1
        %and3A_556 = arith.andi %ne3A_555, %ne3A_550 : i1
        %add3A_557 = arith.addi %rem3A_548, %select_n3A_547 : i32
        %select_n3A_558 = arith.select %and3A_556, %add3A_557, %rem3A_548 : i32
        %jit3A_559 = arith.constant 64 : i32
        %div3A_560 = arith.divsi %select_n3A_558, %jit3A_559 : i32
        %sign3A_561 = arith.constant 0 : i32
        %sign3A_562 = arith.cmpi sgt, %select_n3A_558, %sign3A_561 : i32
        %sign3A_563 = arith.extui %sign3A_562 : i1 to i32
        %sign3A_564 = arith.constant 0 : i32
        %sign3A_565 = arith.cmpi slt, %select_n3A_558, %sign3A_564 : i32
        %sign3A_566 = arith.extui %sign3A_565 : i1 to i32
        %sign3A_567 = arith.subi %sign3A_563, %sign3A_566 : i32
        %sign3A_568 = arith.constant 0 : i32
        %sign3A_569 = arith.cmpi sgt, %jit3A_559, %sign3A_568 : i32
        %sign3A_570 = arith.extui %sign3A_569 : i1 to i32
        %sign3A_571 = arith.constant 0 : i32
        %sign3A_572 = arith.cmpi slt, %jit3A_559, %sign3A_571 : i32
        %sign3A_573 = arith.extui %sign3A_572 : i1 to i32
        %sign3A_574 = arith.subi %sign3A_570, %sign3A_573 : i32
        %ne3A_575 = arith.cmpi ne, %sign3A_567, %sign3A_574 : i32
        %rem3A_576 = arith.remsi %select_n3A_558, %jit3A_559 : i32
        %ne3A_577 = arith.constant 0 : i32
        %ne3A_578 = arith.cmpi ne, %rem3A_576, %ne3A_577 : i32
        %and3A_579 = arith.andi %ne3A_575, %ne3A_578 : i1
        %sub3A_580 = arith.constant 1 : i32
        %sub3A_581 = arith.subi %div3A_560, %sub3A_580 : i32
        %select_n3A_582 = arith.select %and3A_579, %sub3A_581, %div3A_560 : i32
        %sub3A_583 = arith.constant 1 : i32
        %sub3A_584 = arith.subi %select_n3A_582, %sub3A_583 : i32
        %max3A_585 = arith.constant 0 : i32
        %max3A_586 = arith.maxsi %sub3A_584, %max3A_585 : i32
        %get3A_587 = arith.index_cast %scan3A_541 : i32 to index
        %get3A_588 = arith.constant 0 : index
        %get3A_589 = tpu.vector_load %arg4[%get3A_587, %get3A_588] {strides = array<i32>} : memref<512x64xf32, #tpu.memory_space<vmem>>, vector<16xf32>,
        %add3A_590 = arith.constant 0 : i32
        %add3A_591 = vector.broadcast %add3A_590 : i32 to vector<16xi32>
        %add3A_592 = arith.addi %iota3A, %add3A_591 : vector<16xi32>
        %masked_sort3A_593 = arith.constant dense<true> : vector<16xi1>
        %masked_sort3A_594, %masked_sort3A_595, %masked_sort3A_596 = tpu.sort %get3A_589, %add3A_592 masked %masked_sort3A_593 {descending = true} : (vector<16xf32>, vector<16xi32>, vector<16xi1>) -> (vector<16xi1>, vector<16xf32>, vector<16xi32>)
        %get3A_597 = arith.index_cast %scan3A_541 : i32 to index
        %get3A_598 = arith.constant 16 : index
        %get3A_599 = tpu.vector_load %arg4[%get3A_597, %get3A_598] {strides = array<i32>} : memref<512x64xf32, #tpu.memory_space<vmem>>, vector<16xf32>,
        %add3A_600 = arith.constant 16 : i32
        %add3A_601 = vector.broadcast %add3A_600 : i32 to vector<16xi32>
        %add3A_602 = arith.addi %iota3A, %add3A_601 : vector<16xi32>
        %masked_sort3A_603 = arith.constant dense<true> : vector<16xi1>
        %masked_sort3A_604, %masked_sort3A_605, %masked_sort3A_606 = tpu.sort %get3A_599, %add3A_602 masked %masked_sort3A_603 {descending = true} : (vector<16xf32>, vector<16xi32>, vector<16xi1>) -> (vector<16xi1>, vector<16xf32>, vector<16xi32>)
        %get3A_607 = arith.index_cast %scan3A_541 : i32 to index
        %get3A_608 = arith.constant 32 : index
        %get3A_609 = tpu.vector_load %arg4[%get3A_607, %get3A_608] {strides = array<i32>} : memref<512x64xf32, #tpu.memory_space<vmem>>, vector<16xf32>,
        %add3A_610 = arith.constant 32 : i32
        %add3A_611 = vector.broadcast %add3A_610 : i32 to vector<16xi32>
        %add3A_612 = arith.addi %iota3A, %add3A_611 : vector<16xi32>
        %masked_sort3A_613 = arith.constant dense<true> : vector<16xi1>
        %masked_sort3A_614, %masked_sort3A_615, %masked_sort3A_616 = tpu.sort %get3A_609, %add3A_612 masked %masked_sort3A_613 {descending = true} : (vector<16xf32>, vector<16xi32>, vector<16xi1>) -> (vector<16xi1>, vector<16xf32>, vector<16xi32>)
        %get3A_617 = arith.index_cast %scan3A_541 : i32 to index
        %get3A_618 = arith.constant 48 : index
        %get3A_619 = tpu.vector_load %arg4[%get3A_617, %get3A_618] {strides = array<i32>} : memref<512x64xf32, #tpu.memory_space<vmem>>, vector<16xf32>,
        %add3A_620 = arith.constant 48 : i32
        %add3A_621 = vector.broadcast %add3A_620 : i32 to vector<16xi32>
        %add3A_622 = arith.addi %iota3A, %add3A_621 : vector<16xi32>
        %masked_sort3A_623 = arith.constant dense<true> : vector<16xi1>
        %masked_sort3A_624, %masked_sort3A_625, %masked_sort3A_626 = tpu.sort %get3A_619, %add3A_622 masked %masked_sort3A_623 {descending = true} : (vector<16xf32>, vector<16xi32>, vector<16xi1>) -> (vector<16xi1>, vector<16xf32>, vector<16xi32>)
        %rev3A_627 = arith.constant 15 : i32
        %rev3A_628 = vector.broadcast %rev3A_627 : i32 to vector<16xi32>
        %rev3A_629 = tpu.iota {dimensions = array<i32: 0>} : vector<16xi32>
        %rev3A_630 = arith.subi %rev3A_628, %rev3A_629 : vector<16xi32>
        %rev3A_631 = tpu.dynamic_gather %masked_sort3A_605[%rev3A_630] in [0] : vector<16xf32>, vector<16xi32> -> vector<16xf32>
        %rev3A_632 = arith.constant 15 : i32
        %rev3A_633 = vector.broadcast %rev3A_632 : i32 to vector<16xi32>
        %rev3A_634 = tpu.iota {dimensions = array<i32: 0>} : vector<16xi32>
        %rev3A_635 = arith.subi %rev3A_633, %rev3A_634 : vector<16xi32>
        %rev3A_636 = tpu.dynamic_gather %masked_sort3A_606[%rev3A_635] in [0] : vector<16xi32>, vector<16xi32> -> vector<16xi32>
        %ge3A_637 = arith.cmpf oge, %masked_sort3A_595, %rev3A_631 : vector<16xf32>
        %select_n3A_638 = arith.select %ge3A_637, %masked_sort3A_595, %rev3A_631 : vector<16xi1>, vector<16xf32>
        %select_n3A_639 = arith.select %ge3A_637, %masked_sort3A_596, %rev3A_636 : vector<16xi1>, vector<16xi32>
        %masked_sort3A_640 = arith.constant dense<true> : vector<16xi1>
        %masked_sort3A_641, %masked_sort3A_642, %masked_sort3A_643 = tpu.sort %select_n3A_638, %select_n3A_639 masked %masked_sort3A_640 {descending = true} : (vector<16xf32>, vector<16xi32>, vector<16xi1>) -> (vector<16xi1>, vector<16xf32>, vector<16xi32>)
        %rev3A_644 = arith.constant 15 : i32
        %rev3A_645 = vector.broadcast %rev3A_644 : i32 to vector<16xi32>
        %rev3A_646 = tpu.iota {dimensions = array<i32: 0>} : vector<16xi32>
        %rev3A_647 = arith.subi %rev3A_645, %rev3A_646 : vector<16xi32>
        %rev3A_648 = tpu.dynamic_gather %masked_sort3A_625[%rev3A_647] in [0] : vector<16xf32>, vector<16xi32> -> vector<16xf32>
        %rev3A_649 = arith.constant 15 : i32
        %rev3A_650 = vector.broadcast %rev3A_649 : i32 to vector<16xi32>
        %rev3A_651 = tpu.iota {dimensions = array<i32: 0>} : vector<16xi32>
        %rev3A_652 = arith.subi %rev3A_650, %rev3A_651 : vector<16xi32>
        %rev3A_653 = tpu.dynamic_gather %masked_sort3A_626[%rev3A_652] in [0] : vector<16xi32>, vector<16xi32> -> vector<16xi32>
        %ge3A_654 = arith.cmpf oge, %masked_sort3A_615, %rev3A_648 : vector<16xf32>
        %select_n3A_655 = arith.select %ge3A_654, %masked_sort3A_615, %rev3A_648 : vector<16xi1>, vector<16xf32>
        %select_n3A_656 = arith.select %ge3A_654, %masked_sort3A_616, %rev3A_653 : vector<16xi1>, vector<16xi32>
        %masked_sort3A_657 = arith.constant dense<true> : vector<16xi1>
        %masked_sort3A_658, %masked_sort3A_659, %masked_sort3A_660 = tpu.sort %select_n3A_655, %select_n3A_656 masked %masked_sort3A_657 {descending = true} : (vector<16xf32>, vector<16xi32>, vector<16xi1>) -> (vector<16xi1>, vector<16xf32>, vector<16xi32>)
        %rev3A_661 = arith.constant 15 : i32
        %rev3A_662 = vector.broadcast %rev3A_661 : i32 to vector<16xi32>
        %rev3A_663 = tpu.iota {dimensions = array<i32: 0>} : vector<16xi32>
        %rev3A_664 = arith.subi %rev3A_662, %rev3A_663 : vector<16xi32>
        %rev3A_665 = tpu.dynamic_gather %masked_sort3A_659[%rev3A_664] in [0] : vector<16xf32>, vector<16xi32> -> vector<16xf32>
        %rev3A_666 = arith.constant 15 : i32
        %rev3A_667 = vector.broadcast %rev3A_666 : i32 to vector<16xi32>
        %rev3A_668 = tpu.iota {dimensions = array<i32: 0>} : vector<16xi32>
        %rev3A_669 = arith.subi %rev3A_667, %rev3A_668 : vector<16xi32>
        %rev3A_670 = tpu.dynamic_gather %masked_sort3A_660[%rev3A_669] in [0] : vector<16xi32>, vector<16xi32> -> vector<16xi32>
        %ge3A_671 = arith.cmpf oge, %masked_sort3A_642, %rev3A_665 : vector<16xf32>
        %select_n3A_672 = arith.select %ge3A_671, %masked_sort3A_642, %rev3A_665 : vector<16xi1>, vector<16xf32>
        %select_n3A_673 = arith.select %ge3A_671, %masked_sort3A_643, %rev3A_670 : vector<16xi1>, vector<16xi32>
        %masked_sort3A_674 = arith.constant dense<true> : vector<16xi1>
        %masked_sort3A_675, %masked_sort3A_676, %masked_sort3A_677 = tpu.sort %select_n3A_672, %select_n3A_673 masked %masked_sort3A_674 {descending = true} : (vector<16xf32>, vector<16xi32>, vector<16xi1>) -> (vector<16xi1>, vector<16xf32>, vector<16xi32>)
        %masked_sort3A_678 = arith.constant dense<true> : vector<16xi1>
        %masked_sort3A_679 = arith.constant -2147483648 : i32
        %masked_sort3A_680 = vector.broadcast %masked_sort3A_679 : i32 to vector<16xi32>
        %masked_sort3A_681 = arith.xori %masked_sort3A_677, %masked_sort3A_680 : vector<16xi32>
        %masked_sort3A_682, %masked_sort3A_683, %masked_sort3A_684 = tpu.sort %masked_sort3A_681, %masked_sort3A_677 masked %masked_sort3A_678 : (vector<16xi32>, vector<16xi32>, vector<16xi1>) -> (vector<16xi1>, vector<16xi32>, vector<16xi32>)
        %masked_sort3A_685 = arith.xori %masked_sort3A_683, %masked_sort3A_680 : vector<16xi32>
        %lt3A_686 = vector.broadcast %max3A_586 : i32 to vector<16xi32>
        %lt3A_687 = arith.cmpi slt, %masked_sort3A_685, %lt3A_686 : vector<16xi32>
        %all_reduce_population_count3A_688 = tpu.all_reduce %lt3A_687 {dim = 0 : i64, kind = #tpu.reduction_kind<sum>} : vector<16xi1> -> vector<16xi32>
        %lt3A_689 = vector.broadcast %select_n3A_582 : i32 to vector<16xi32>
        %lt3A_690 = arith.cmpi slt, %masked_sort3A_685, %lt3A_689 : vector<16xi32>
        %all_reduce_population_count3A_691 = tpu.all_reduce %lt3A_690 {dim = 0 : i64, kind = #tpu.reduction_kind<sum>} : vector<16xi1> -> vector<16xi32>
        %add3A_692 = arith.constant 1 : i32
        %add3A_693 = vector.broadcast %add3A_692 : i32 to vector<16xi32>
        %add3A_694 = arith.addi %all_reduce_population_count3A_691, %add3A_693 : vector<16xi32>
        %gt3A_695 = arith.cmpi sgt, %iota3A, %all_reduce_population_count3A_688 : vector<16xi32>
        %jit3A_696 = arith.constant 1 : i32
        %jit3A_697 = arith.constant 0 : i32
        %broadcast_in_dim3A_698 = vector.broadcast %jit3A_696 : i32 to vector<16xi32>
        %broadcast_in_dim3A_699 = vector.broadcast %jit3A_697 : i32 to vector<16xi32>
        %select_n3A_700 = arith.select %gt3A_695, %broadcast_in_dim3A_698, %broadcast_in_dim3A_699 : vector<16xi1>, vector<16xi32>
        %gt3A_701 = arith.cmpi sgt, %iota3A, %add3A_694 : vector<16xi32>
        %jit3A_702 = arith.constant 1 : i32
        %jit3A_703 = arith.constant 0 : i32
        %broadcast_in_dim3A_704 = vector.broadcast %jit3A_702 : i32 to vector<16xi32>
        %broadcast_in_dim3A_705 = vector.broadcast %jit3A_703 : i32 to vector<16xi32>
        %select_n3A_706 = arith.select %gt3A_701, %broadcast_in_dim3A_704, %broadcast_in_dim3A_705 : vector<16xi1>, vector<16xi32>
        %add3A_707 = arith.addi %select_n3A_700, %select_n3A_706 : vector<16xi32>
        %sub3A_708 = arith.subi %iota3A, %add3A_707 : vector<16xi32>
        %broadcast_in_dim3A_709 = vector.shape_cast %sub3A_708 : vector<16xi32> to vector<16x1xi32>
        %gather3A_710 = vector.shape_cast %broadcast_in_dim3A_709 : vector<16x1xi32> to vector<16xi32>
        %gather3A_711 = tpu.dynamic_gather %masked_sort3A_685[%gather3A_710] in [0] : vector<16xi32>, vector<16xi32> -> vector<16xi32>
        %eq3A_712 = arith.cmpi eq, %iota3A, %all_reduce_population_count3A_688 : vector<16xi32>
        %eq3A_713 = arith.cmpi eq, %iota3A, %add3A_694 : vector<16xi32>
        %broadcast_in_dim3A_714 = vector.broadcast %select_n3A_582 : i32 to vector<16xi32>
        %select_n3A_715 = arith.select %eq3A_713, %broadcast_in_dim3A_714, %gather3A_711 : vector<16xi1>, vector<16xi32>
        %broadcast_in_dim3A_716 = vector.broadcast %max3A_586 : i32 to vector<16xi32>
        %select_n3A_717 = arith.select %eq3A_712, %broadcast_in_dim3A_716, %select_n3A_715 : vector<16xi1>, vector<16xi32>
        %swap3A_718 = arith.index_cast %scan3A_541 : i32 to index
        %swap3A_719 = arith.constant 0 : index
        %swap3A_720 = tpu.vector_load %arg5[%swap3A_718, %swap3A_719] {strides = array<i32>} : memref<512x16xi32, #tpu.memory_space<vmem>>, vector<16xi32>,
        tpu.vector_store %arg5[%swap3A_718, %swap3A_719], %select_n3A_717 {strides = array<i32>} : memref<512x16xi32, #tpu.memory_space<vmem>>, vector<16xi32>,
        %scan3A_721 = arith.constant 4 : i32
        %scan3A_722 = arith.addi %scan3A_18, %scan3A_721 : i32
        %add3A_723 = arith.addi %add3A_11, %scan3A_722 : i32
        %jit3A_724 = arith.constant 4096 : i32
        %eq3A_725 = arith.constant 0 : i32
        %eq3A_726 = arith.cmpi eq, %jit3A_724, %eq3A_725 : i32
        %jit3A_727 = arith.constant 1 : i32
        %select_n3A_728 = arith.select %eq3A_726, %jit3A_727, %jit3A_724 : i32
        %rem3A_729 = arith.remsi %add3A_723, %select_n3A_728 : i32
        %ne3A_730 = arith.constant 0 : i32
        %ne3A_731 = arith.cmpi ne, %rem3A_729, %ne3A_730 : i32
        %lt3A_732 = arith.constant 0 : i32
        %lt3A_733 = arith.cmpi slt, %rem3A_729, %lt3A_732 : i32
        %lt3A_734 = arith.constant 0 : i32
        %lt3A_735 = arith.cmpi slt, %select_n3A_728, %lt3A_734 : i32
        %ne3A_736 = arith.xori %lt3A_733, %lt3A_735 : i1
        %and3A_737 = arith.andi %ne3A_736, %ne3A_731 : i1
        %add3A_738 = arith.addi %rem3A_729, %select_n3A_728 : i32
        %select_n3A_739 = arith.select %and3A_737, %add3A_738, %rem3A_729 : i32
        %jit3A_740 = arith.constant 64 : i32
        %div3A_741 = arith.divsi %select_n3A_739, %jit3A_740 : i32
        %sign3A_742 = arith.constant 0 : i32
        %sign3A_743 = arith.cmpi sgt, %select_n3A_739, %sign3A_742 : i32
        %sign3A_744 = arith.extui %sign3A_743 : i1 to i32
        %sign3A_745 = arith.constant 0 : i32
        %sign3A_746 = arith.cmpi slt, %select_n3A_739, %sign3A_745 : i32
        %sign3A_747 = arith.extui %sign3A_746 : i1 to i32
        %sign3A_748 = arith.subi %sign3A_744, %sign3A_747 : i32
        %sign3A_749 = arith.constant 0 : i32
        %sign3A_750 = arith.cmpi sgt, %jit3A_740, %sign3A_749 : i32
        %sign3A_751 = arith.extui %sign3A_750 : i1 to i32
        %sign3A_752 = arith.constant 0 : i32
        %sign3A_753 = arith.cmpi slt, %jit3A_740, %sign3A_752 : i32
        %sign3A_754 = arith.extui %sign3A_753 : i1 to i32
        %sign3A_755 = arith.subi %sign3A_751, %sign3A_754 : i32
        %ne3A_756 = arith.cmpi ne, %sign3A_748, %sign3A_755 : i32
        %rem3A_757 = arith.remsi %select_n3A_739, %jit3A_740 : i32
        %ne3A_758 = arith.constant 0 : i32
        %ne3A_759 = arith.cmpi ne, %rem3A_757, %ne3A_758 : i32
        %and3A_760 = arith.andi %ne3A_756, %ne3A_759 : i1
        %sub3A_761 = arith.constant 1 : i32
        %sub3A_762 = arith.subi %div3A_741, %sub3A_761 : i32
        %select_n3A_763 = arith.select %and3A_760, %sub3A_762, %div3A_741 : i32
        %sub3A_764 = arith.constant 1 : i32
        %sub3A_765 = arith.subi %select_n3A_763, %sub3A_764 : i32
        %max3A_766 = arith.constant 0 : i32
        %max3A_767 = arith.maxsi %sub3A_765, %max3A_766 : i32
        %get3A_768 = arith.index_cast %scan3A_722 : i32 to index
        %get3A_769 = arith.constant 0 : index
        %get3A_770 = tpu.vector_load %arg4[%get3A_768, %get3A_769] {strides = array<i32>} : memref<512x64xf32, #tpu.memory_space<vmem>>, vector<16xf32>,
        %add3A_771 = arith.constant 0 : i32
        %add3A_772 = vector.broadcast %add3A_771 : i32 to vector<16xi32>
        %add3A_773 = arith.addi %iota3A, %add3A_772 : vector<16xi32>
        %masked_sort3A_774 = arith.constant dense<true> : vector<16xi1>
        %masked_sort3A_775, %masked_sort3A_776, %masked_sort3A_777 = tpu.sort %get3A_770, %add3A_773 masked %masked_sort3A_774 {descending = true} : (vector<16xf32>, vector<16xi32>, vector<16xi1>) -> (vector<16xi1>, vector<16xf32>, vector<16xi32>)
        %get3A_778 = arith.index_cast %scan3A_722 : i32 to index
        %get3A_779 = arith.constant 16 : index
        %get3A_780 = tpu.vector_load %arg4[%get3A_778, %get3A_779] {strides = array<i32>} : memref<512x64xf32, #tpu.memory_space<vmem>>, vector<16xf32>,
        %add3A_781 = arith.constant 16 : i32
        %add3A_782 = vector.broadcast %add3A_781 : i32 to vector<16xi32>
        %add3A_783 = arith.addi %iota3A, %add3A_782 : vector<16xi32>
        %masked_sort3A_784 = arith.constant dense<true> : vector<16xi1>
        %masked_sort3A_785, %masked_sort3A_786, %masked_sort3A_787 = tpu.sort %get3A_780, %add3A_783 masked %masked_sort3A_784 {descending = true} : (vector<16xf32>, vector<16xi32>, vector<16xi1>) -> (vector<16xi1>, vector<16xf32>, vector<16xi32>)
        %get3A_788 = arith.index_cast %scan3A_722 : i32 to index
        %get3A_789 = arith.constant 32 : index
        %get3A_790 = tpu.vector_load %arg4[%get3A_788, %get3A_789] {strides = array<i32>} : memref<512x64xf32, #tpu.memory_space<vmem>>, vector<16xf32>,
        %add3A_791 = arith.constant 32 : i32
        %add3A_792 = vector.broadcast %add3A_791 : i32 to vector<16xi32>
        %add3A_793 = arith.addi %iota3A, %add3A_792 : vector<16xi32>
        %masked_sort3A_794 = arith.constant dense<true> : vector<16xi1>
        %masked_sort3A_795, %masked_sort3A_796, %masked_sort3A_797 = tpu.sort %get3A_790, %add3A_793 masked %masked_sort3A_794 {descending = true} : (vector<16xf32>, vector<16xi32>, vector<16xi1>) -> (vector<16xi1>, vector<16xf32>, vector<16xi32>)
        %get3A_798 = arith.index_cast %scan3A_722 : i32 to index
        %get3A_799 = arith.constant 48 : index
        %get3A_800 = tpu.vector_load %arg4[%get3A_798, %get3A_799] {strides = array<i32>} : memref<512x64xf32, #tpu.memory_space<vmem>>, vector<16xf32>,
        %add3A_801 = arith.constant 48 : i32
        %add3A_802 = vector.broadcast %add3A_801 : i32 to vector<16xi32>
        %add3A_803 = arith.addi %iota3A, %add3A_802 : vector<16xi32>
        %masked_sort3A_804 = arith.constant dense<true> : vector<16xi1>
        %masked_sort3A_805, %masked_sort3A_806, %masked_sort3A_807 = tpu.sort %get3A_800, %add3A_803 masked %masked_sort3A_804 {descending = true} : (vector<16xf32>, vector<16xi32>, vector<16xi1>) -> (vector<16xi1>, vector<16xf32>, vector<16xi32>)
        %rev3A_808 = arith.constant 15 : i32
        %rev3A_809 = vector.broadcast %rev3A_808 : i32 to vector<16xi32>
        %rev3A_810 = tpu.iota {dimensions = array<i32: 0>} : vector<16xi32>
        %rev3A_811 = arith.subi %rev3A_809, %rev3A_810 : vector<16xi32>
        %rev3A_812 = tpu.dynamic_gather %masked_sort3A_786[%rev3A_811] in [0] : vector<16xf32>, vector<16xi32> -> vector<16xf32>
        %rev3A_813 = arith.constant 15 : i32
        %rev3A_814 = vector.broadcast %rev3A_813 : i32 to vector<16xi32>
        %rev3A_815 = tpu.iota {dimensions = array<i32: 0>} : vector<16xi32>
        %rev3A_816 = arith.subi %rev3A_814, %rev3A_815 : vector<16xi32>
        %rev3A_817 = tpu.dynamic_gather %masked_sort3A_787[%rev3A_816] in [0] : vector<16xi32>, vector<16xi32> -> vector<16xi32>
        %ge3A_818 = arith.cmpf oge, %masked_sort3A_776, %rev3A_812 : vector<16xf32>
        %select_n3A_819 = arith.select %ge3A_818, %masked_sort3A_776, %rev3A_812 : vector<16xi1>, vector<16xf32>
        %select_n3A_820 = arith.select %ge3A_818, %masked_sort3A_777, %rev3A_817 : vector<16xi1>, vector<16xi32>
        %masked_sort3A_821 = arith.constant dense<true> : vector<16xi1>
        %masked_sort3A_822, %masked_sort3A_823, %masked_sort3A_824 = tpu.sort %select_n3A_819, %select_n3A_820 masked %masked_sort3A_821 {descending = true} : (vector<16xf32>, vector<16xi32>, vector<16xi1>) -> (vector<16xi1>, vector<16xf32>, vector<16xi32>)
        %rev3A_825 = arith.constant 15 : i32
        %rev3A_826 = vector.broadcast %rev3A_825 : i32 to vector<16xi32>
        %rev3A_827 = tpu.iota {dimensions = array<i32: 0>} : vector<16xi32>
        %rev3A_828 = arith.subi %rev3A_826, %rev3A_827 : vector<16xi32>
        %rev3A_829 = tpu.dynamic_gather %masked_sort3A_806[%rev3A_828] in [0] : vector<16xf32>, vector<16xi32> -> vector<16xf32>
        %rev3A_830 = arith.constant 15 : i32
        %rev3A_831 = vector.broadcast %rev3A_830 : i32 to vector<16xi32>
        %rev3A_832 = tpu.iota {dimensions = array<i32: 0>} : vector<16xi32>
        %rev3A_833 = arith.subi %rev3A_831, %rev3A_832 : vector<16xi32>
        %rev3A_834 = tpu.dynamic_gather %masked_sort3A_807[%rev3A_833] in [0] : vector<16xi32>, vector<16xi32> -> vector<16xi32>
        %ge3A_835 = arith.cmpf oge, %masked_sort3A_796, %rev3A_829 : vector<16xf32>
        %select_n3A_836 = arith.select %ge3A_835, %masked_sort3A_796, %rev3A_829 : vector<16xi1>, vector<16xf32>
        %select_n3A_837 = arith.select %ge3A_835, %masked_sort3A_797, %rev3A_834 : vector<16xi1>, vector<16xi32>
        %masked_sort3A_838 = arith.constant dense<true> : vector<16xi1>
        %masked_sort3A_839, %masked_sort3A_840, %masked_sort3A_841 = tpu.sort %select_n3A_836, %select_n3A_837 masked %masked_sort3A_838 {descending = true} : (vector<16xf32>, vector<16xi32>, vector<16xi1>) -> (vector<16xi1>, vector<16xf32>, vector<16xi32>)
        %rev3A_842 = arith.constant 15 : i32
        %rev3A_843 = vector.broadcast %rev3A_842 : i32 to vector<16xi32>
        %rev3A_844 = tpu.iota {dimensions = array<i32: 0>} : vector<16xi32>
        %rev3A_845 = arith.subi %rev3A_843, %rev3A_844 : vector<16xi32>
        %rev3A_846 = tpu.dynamic_gather %masked_sort3A_840[%rev3A_845] in [0] : vector<16xf32>, vector<16xi32> -> vector<16xf32>
        %rev3A_847 = arith.constant 15 : i32
        %rev3A_848 = vector.broadcast %rev3A_847 : i32 to vector<16xi32>
        %rev3A_849 = tpu.iota {dimensions = array<i32: 0>} : vector<16xi32>
        %rev3A_850 = arith.subi %rev3A_848, %rev3A_849 : vector<16xi32>
        %rev3A_851 = tpu.dynamic_gather %masked_sort3A_841[%rev3A_850] in [0] : vector<16xi32>, vector<16xi32> -> vector<16xi32>
        %ge3A_852 = arith.cmpf oge, %masked_sort3A_823, %rev3A_846 : vector<16xf32>
        %select_n3A_853 = arith.select %ge3A_852, %masked_sort3A_823, %rev3A_846 : vector<16xi1>, vector<16xf32>
        %select_n3A_854 = arith.select %ge3A_852, %masked_sort3A_824, %rev3A_851 : vector<16xi1>, vector<16xi32>
        %masked_sort3A_855 = arith.constant dense<true> : vector<16xi1>
        %masked_sort3A_856, %masked_sort3A_857, %masked_sort3A_858 = tpu.sort %select_n3A_853, %select_n3A_854 masked %masked_sort3A_855 {descending = true} : (vector<16xf32>, vector<16xi32>, vector<16xi1>) -> (vector<16xi1>, vector<16xf32>, vector<16xi32>)
        %masked_sort3A_859 = arith.constant dense<true> : vector<16xi1>
        %masked_sort3A_860 = arith.constant -2147483648 : i32
        %masked_sort3A_861 = vector.broadcast %masked_sort3A_860 : i32 to vector<16xi32>
        %masked_sort3A_862 = arith.xori %masked_sort3A_858, %masked_sort3A_861 : vector<16xi32>
        %masked_sort3A_863, %masked_sort3A_864, %masked_sort3A_865 = tpu.sort %masked_sort3A_862, %masked_sort3A_858 masked %masked_sort3A_859 : (vector<16xi32>, vector<16xi32>, vector<16xi1>) -> (vector<16xi1>, vector<16xi32>, vector<16xi32>)
        %masked_sort3A_866 = arith.xori %masked_sort3A_864, %masked_sort3A_861 : vector<16xi32>
        %lt3A_867 = vector.broadcast %max3A_767 : i32 to vector<16xi32>
        %lt3A_868 = arith.cmpi slt, %masked_sort3A_866, %lt3A_867 : vector<16xi32>
        %all_reduce_population_count3A_869 = tpu.all_reduce %lt3A_868 {dim = 0 : i64, kind = #tpu.reduction_kind<sum>} : vector<16xi1> -> vector<16xi32>
        %lt3A_870 = vector.broadcast %select_n3A_763 : i32 to vector<16xi32>
        %lt3A_871 = arith.cmpi slt, %masked_sort3A_866, %lt3A_870 : vector<16xi32>
        %all_reduce_population_count3A_872 = tpu.all_reduce %lt3A_871 {dim = 0 : i64, kind = #tpu.reduction_kind<sum>} : vector<16xi1> -> vector<16xi32>
        %add3A_873 = arith.constant 1 : i32
        %add3A_874 = vector.broadcast %add3A_873 : i32 to vector<16xi32>
        %add3A_875 = arith.addi %all_reduce_population_count3A_872, %add3A_874 : vector<16xi32>
        %gt3A_876 = arith.cmpi sgt, %iota3A, %all_reduce_population_count3A_869 : vector<16xi32>
        %jit3A_877 = arith.constant 1 : i32
        %jit3A_878 = arith.constant 0 : i32
        %broadcast_in_dim3A_879 = vector.broadcast %jit3A_877 : i32 to vector<16xi32>
        %broadcast_in_dim3A_880 = vector.broadcast %jit3A_878 : i32 to vector<16xi32>
        %select_n3A_881 = arith.select %gt3A_876, %broadcast_in_dim3A_879, %broadcast_in_dim3A_880 : vector<16xi1>, vector<16xi32>
        %gt3A_882 = arith.cmpi sgt, %iota3A, %add3A_875 : vector<16xi32>
        %jit3A_883 = arith.constant 1 : i32
        %jit3A_884 = arith.constant 0 : i32
        %broadcast_in_dim3A_885 = vector.broadcast %jit3A_883 : i32 to vector<16xi32>
        %broadcast_in_dim3A_886 = vector.broadcast %jit3A_884 : i32 to vector<16xi32>
        %select_n3A_887 = arith.select %gt3A_882, %broadcast_in_dim3A_885, %broadcast_in_dim3A_886 : vector<16xi1>, vector<16xi32>
        %add3A_888 = arith.addi %select_n3A_881, %select_n3A_887 : vector<16xi32>
        %sub3A_889 = arith.subi %iota3A, %add3A_888 : vector<16xi32>
        %broadcast_in_dim3A_890 = vector.shape_cast %sub3A_889 : vector<16xi32> to vector<16x1xi32>
        %gather3A_891 = vector.shape_cast %broadcast_in_dim3A_890 : vector<16x1xi32> to vector<16xi32>
        %gather3A_892 = tpu.dynamic_gather %masked_sort3A_866[%gather3A_891] in [0] : vector<16xi32>, vector<16xi32> -> vector<16xi32>
        %eq3A_893 = arith.cmpi eq, %iota3A, %all_reduce_population_count3A_869 : vector<16xi32>
        %eq3A_894 = arith.cmpi eq, %iota3A, %add3A_875 : vector<16xi32>
        %broadcast_in_dim3A_895 = vector.broadcast %select_n3A_763 : i32 to vector<16xi32>
        %select_n3A_896 = arith.select %eq3A_894, %broadcast_in_dim3A_895, %gather3A_892 : vector<16xi1>, vector<16xi32>
        %broadcast_in_dim3A_897 = vector.broadcast %max3A_767 : i32 to vector<16xi32>
        %select_n3A_898 = arith.select %eq3A_893, %broadcast_in_dim3A_897, %select_n3A_896 : vector<16xi1>, vector<16xi32>
        %swap3A_899 = arith.index_cast %scan3A_722 : i32 to index
        %swap3A_900 = arith.constant 0 : index
        %swap3A_901 = tpu.vector_load %arg5[%swap3A_899, %swap3A_900] {strides = array<i32>} : memref<512x16xi32, #tpu.memory_space<vmem>>, vector<16xi32>,
        tpu.vector_store %arg5[%swap3A_899, %swap3A_900], %select_n3A_898 {strides = array<i32>} : memref<512x16xi32, #tpu.memory_space<vmem>>, vector<16xi32>,
        %scan3A_902 = arith.constant 5 : i32
        %scan3A_903 = arith.addi %scan3A_18, %scan3A_902 : i32
        %add3A_904 = arith.addi %add3A_11, %scan3A_903 : i32
        %jit3A_905 = arith.constant 4096 : i32
        %eq3A_906 = arith.constant 0 : i32
        %eq3A_907 = arith.cmpi eq, %jit3A_905, %eq3A_906 : i32
        %jit3A_908 = arith.constant 1 : i32
        %select_n3A_909 = arith.select %eq3A_907, %jit3A_908, %jit3A_905 : i32
        %rem3A_910 = arith.remsi %add3A_904, %select_n3A_909 : i32
        %ne3A_911 = arith.constant 0 : i32
        %ne3A_912 = arith.cmpi ne, %rem3A_910, %ne3A_911 : i32
        %lt3A_913 = arith.constant 0 : i32
        %lt3A_914 = arith.cmpi slt, %rem3A_910, %lt3A_913 : i32
        %lt3A_915 = arith.constant 0 : i32
        %lt3A_916 = arith.cmpi slt, %select_n3A_909, %lt3A_915 : i32
        %ne3A_917 = arith.xori %lt3A_914, %lt3A_916 : i1
        %and3A_918 = arith.andi %ne3A_917, %ne3A_912 : i1
        %add3A_919 = arith.addi %rem3A_910, %select_n3A_909 : i32
        %select_n3A_920 = arith.select %and3A_918, %add3A_919, %rem3A_910 : i32
        %jit3A_921 = arith.constant 64 : i32
        %div3A_922 = arith.divsi %select_n3A_920, %jit3A_921 : i32
        %sign3A_923 = arith.constant 0 : i32
        %sign3A_924 = arith.cmpi sgt, %select_n3A_920, %sign3A_923 : i32
        %sign3A_925 = arith.extui %sign3A_924 : i1 to i32
        %sign3A_926 = arith.constant 0 : i32
        %sign3A_927 = arith.cmpi slt, %select_n3A_920, %sign3A_926 : i32
        %sign3A_928 = arith.extui %sign3A_927 : i1 to i32
        %sign3A_929 = arith.subi %sign3A_925, %sign3A_928 : i32
        %sign3A_930 = arith.constant 0 : i32
        %sign3A_931 = arith.cmpi sgt, %jit3A_921, %sign3A_930 : i32
        %sign3A_932 = arith.extui %sign3A_931 : i1 to i32
        %sign3A_933 = arith.constant 0 : i32
        %sign3A_934 = arith.cmpi slt, %jit3A_921, %sign3A_933 : i32
        %sign3A_935 = arith.extui %sign3A_934 : i1 to i32
        %sign3A_936 = arith.subi %sign3A_932, %sign3A_935 : i32
        %ne3A_937 = arith.cmpi ne, %sign3A_929, %sign3A_936 : i32
        %rem3A_938 = arith.remsi %select_n3A_920, %jit3A_921 : i32
        %ne3A_939 = arith.constant 0 : i32
        %ne3A_940 = arith.cmpi ne, %rem3A_938, %ne3A_939 : i32
        %and3A_941 = arith.andi %ne3A_937, %ne3A_940 : i1
        %sub3A_942 = arith.constant 1 : i32
        %sub3A_943 = arith.subi %div3A_922, %sub3A_942 : i32
        %select_n3A_944 = arith.select %and3A_941, %sub3A_943, %div3A_922 : i32
        %sub3A_945 = arith.constant 1 : i32
        %sub3A_946 = arith.subi %select_n3A_944, %sub3A_945 : i32
        %max3A_947 = arith.constant 0 : i32
        %max3A_948 = arith.maxsi %sub3A_946, %max3A_947 : i32
        %get3A_949 = arith.index_cast %scan3A_903 : i32 to index
        %get3A_950 = arith.constant 0 : index
        %get3A_951 = tpu.vector_load %arg4[%get3A_949, %get3A_950] {strides = array<i32>} : memref<512x64xf32, #tpu.memory_space<vmem>>, vector<16xf32>,
        %add3A_952 = arith.constant 0 : i32
        %add3A_953 = vector.broadcast %add3A_952 : i32 to vector<16xi32>
        %add3A_954 = arith.addi %iota3A, %add3A_953 : vector<16xi32>
        %masked_sort3A_955 = arith.constant dense<true> : vector<16xi1>
        %masked_sort3A_956, %masked_sort3A_957, %masked_sort3A_958 = tpu.sort %get3A_951, %add3A_954 masked %masked_sort3A_955 {descending = true} : (vector<16xf32>, vector<16xi32>, vector<16xi1>) -> (vector<16xi1>, vector<16xf32>, vector<16xi32>)
        %get3A_959 = arith.index_cast %scan3A_903 : i32 to index
        %get3A_960 = arith.constant 16 : index
        %get3A_961 = tpu.vector_load %arg4[%get3A_959, %get3A_960] {strides = array<i32>} : memref<512x64xf32, #tpu.memory_space<vmem>>, vector<16xf32>,
        %add3A_962 = arith.constant 16 : i32
        %add3A_963 = vector.broadcast %add3A_962 : i32 to vector<16xi32>
        %add3A_964 = arith.addi %iota3A, %add3A_963 : vector<16xi32>
        %masked_sort3A_965 = arith.constant dense<true> : vector<16xi1>
        %masked_sort3A_966, %masked_sort3A_967, %masked_sort3A_968 = tpu.sort %get3A_961, %add3A_964 masked %masked_sort3A_965 {descending = true} : (vector<16xf32>, vector<16xi32>, vector<16xi1>) -> (vector<16xi1>, vector<16xf32>, vector<16xi32>)
        %get3A_969 = arith.index_cast %scan3A_903 : i32 to index
        %get3A_970 = arith.constant 32 : index
        %get3A_971 = tpu.vector_load %arg4[%get3A_969, %get3A_970] {strides = array<i32>} : memref<512x64xf32, #tpu.memory_space<vmem>>, vector<16xf32>,
        %add3A_972 = arith.constant 32 : i32
        %add3A_973 = vector.broadcast %add3A_972 : i32 to vector<16xi32>
        %add3A_974 = arith.addi %iota3A, %add3A_973 : vector<16xi32>
        %masked_sort3A_975 = arith.constant dense<true> : vector<16xi1>
        %masked_sort3A_976, %masked_sort3A_977, %masked_sort3A_978 = tpu.sort %get3A_971, %add3A_974 masked %masked_sort3A_975 {descending = true} : (vector<16xf32>, vector<16xi32>, vector<16xi1>) -> (vector<16xi1>, vector<16xf32>, vector<16xi32>)
        %get3A_979 = arith.index_cast %scan3A_903 : i32 to index
        %get3A_980 = arith.constant 48 : index
        %get3A_981 = tpu.vector_load %arg4[%get3A_979, %get3A_980] {strides = array<i32>} : memref<512x64xf32, #tpu.memory_space<vmem>>, vector<16xf32>,
        %add3A_982 = arith.constant 48 : i32
        %add3A_983 = vector.broadcast %add3A_982 : i32 to vector<16xi32>
        %add3A_984 = arith.addi %iota3A, %add3A_983 : vector<16xi32>
        %masked_sort3A_985 = arith.constant dense<true> : vector<16xi1>
        %masked_sort3A_986, %masked_sort3A_987, %masked_sort3A_988 = tpu.sort %get3A_981, %add3A_984 masked %masked_sort3A_985 {descending = true} : (vector<16xf32>, vector<16xi32>, vector<16xi1>) -> (vector<16xi1>, vector<16xf32>, vector<16xi32>)
        %rev3A_989 = arith.constant 15 : i32
        %rev3A_990 = vector.broadcast %rev3A_989 : i32 to vector<16xi32>
        %rev3A_991 = tpu.iota {dimensions = array<i32: 0>} : vector<16xi32>
        %rev3A_992 = arith.subi %rev3A_990, %rev3A_991 : vector<16xi32>
        %rev3A_993 = tpu.dynamic_gather %masked_sort3A_967[%rev3A_992] in [0] : vector<16xf32>, vector<16xi32> -> vector<16xf32>
        %rev3A_994 = arith.constant 15 : i32
        %rev3A_995 = vector.broadcast %rev3A_994 : i32 to vector<16xi32>
        %rev3A_996 = tpu.iota {dimensions = array<i32: 0>} : vector<16xi32>
        %rev3A_997 = arith.subi %rev3A_995, %rev3A_996 : vector<16xi32>
        %rev3A_998 = tpu.dynamic_gather %masked_sort3A_968[%rev3A_997] in [0] : vector<16xi32>, vector<16xi32> -> vector<16xi32>
        %ge3A_999 = arith.cmpf oge, %masked_sort3A_957, %rev3A_993 : vector<16xf32>
        %select_n3A_1000 = arith.select %ge3A_999, %masked_sort3A_957, %rev3A_993 : vector<16xi1>, vector<16xf32>
        %select_n3A_1001 = arith.select %ge3A_999, %masked_sort3A_958, %rev3A_998 : vector<16xi1>, vector<16xi32>
        %masked_sort3A_1002 = arith.constant dense<true> : vector<16xi1>
        %masked_sort3A_1003, %masked_sort3A_1004, %masked_sort3A_1005 = tpu.sort %select_n3A_1000, %select_n3A_1001 masked %masked_sort3A_1002 {descending = true} : (vector<16xf32>, vector<16xi32>, vector<16xi1>) -> (vector<16xi1>, vector<16xf32>, vector<16xi32>)
        %rev3A_1006 = arith.constant 15 : i32
        %rev3A_1007 = vector.broadcast %rev3A_1006 : i32 to vector<16xi32>
        %rev3A_1008 = tpu.iota {dimensions = array<i32: 0>} : vector<16xi32>
        %rev3A_1009 = arith.subi %rev3A_1007, %rev3A_1008 : vector<16xi32>
        %rev3A_1010 = tpu.dynamic_gather %masked_sort3A_987[%rev3A_1009] in [0] : vector<16xf32>, vector<16xi32> -> vector<16xf32>
        %rev3A_1011 = arith.constant 15 : i32
        %rev3A_1012 = vector.broadcast %rev3A_1011 : i32 to vector<16xi32>
        %rev3A_1013 = tpu.iota {dimensions = array<i32: 0>} : vector<16xi32>
        %rev3A_1014 = arith.subi %rev3A_1012, %rev3A_1013 : vector<16xi32>
        %rev3A_1015 = tpu.dynamic_gather %masked_sort3A_988[%rev3A_1014] in [0] : vector<16xi32>, vector<16xi32> -> vector<16xi32>
        %ge3A_1016 = arith.cmpf oge, %masked_sort3A_977, %rev3A_1010 : vector<16xf32>
        %select_n3A_1017 = arith.select %ge3A_1016, %masked_sort3A_977, %rev3A_1010 : vector<16xi1>, vector<16xf32>
        %select_n3A_1018 = arith.select %ge3A_1016, %masked_sort3A_978, %rev3A_1015 : vector<16xi1>, vector<16xi32>
        %masked_sort3A_1019 = arith.constant dense<true> : vector<16xi1>
        %masked_sort3A_1020, %masked_sort3A_1021, %masked_sort3A_1022 = tpu.sort %select_n3A_1017, %select_n3A_1018 masked %masked_sort3A_1019 {descending = true} : (vector<16xf32>, vector<16xi32>, vector<16xi1>) -> (vector<16xi1>, vector<16xf32>, vector<16xi32>)
        %rev3A_1023 = arith.constant 15 : i32
        %rev3A_1024 = vector.broadcast %rev3A_1023 : i32 to vector<16xi32>
        %rev3A_1025 = tpu.iota {dimensions = array<i32: 0>} : vector<16xi32>
        %rev3A_1026 = arith.subi %rev3A_1024, %rev3A_1025 : vector<16xi32>
        %rev3A_1027 = tpu.dynamic_gather %masked_sort3A_1021[%rev3A_1026] in [0] : vector<16xf32>, vector<16xi32> -> vector<16xf32>
        %rev3A_1028 = arith.constant 15 : i32
        %rev3A_1029 = vector.broadcast %rev3A_1028 : i32 to vector<16xi32>
        %rev3A_1030 = tpu.iota {dimensions = array<i32: 0>} : vector<16xi32>
        %rev3A_1031 = arith.subi %rev3A_1029, %rev3A_1030 : vector<16xi32>
        %rev3A_1032 = tpu.dynamic_gather %masked_sort3A_1022[%rev3A_1031] in [0] : vector<16xi32>, vector<16xi32> -> vector<16xi32>
        %ge3A_1033 = arith.cmpf oge, %masked_sort3A_1004, %rev3A_1027 : vector<16xf32>
        %select_n3A_1034 = arith.select %ge3A_1033, %masked_sort3A_1004, %rev3A_1027 : vector<16xi1>, vector<16xf32>
        %select_n3A_1035 = arith.select %ge3A_1033, %masked_sort3A_1005, %rev3A_1032 : vector<16xi1>, vector<16xi32>
        %masked_sort3A_1036 = arith.constant dense<true> : vector<16xi1>
        %masked_sort3A_1037, %masked_sort3A_1038, %masked_sort3A_1039 = tpu.sort %select_n3A_1034, %select_n3A_1035 masked %masked_sort3A_1036 {descending = true} : (vector<16xf32>, vector<16xi32>, vector<16xi1>) -> (vector<16xi1>, vector<16xf32>, vector<16xi32>)
        %masked_sort3A_1040 = arith.constant dense<true> : vector<16xi1>
        %masked_sort3A_1041 = arith.constant -2147483648 : i32
        %masked_sort3A_1042 = vector.broadcast %masked_sort3A_1041 : i32 to vector<16xi32>
        %masked_sort3A_1043 = arith.xori %masked_sort3A_1039, %masked_sort3A_1042 : vector<16xi32>
        %masked_sort3A_1044, %masked_sort3A_1045, %masked_sort3A_1046 = tpu.sort %masked_sort3A_1043, %masked_sort3A_1039 masked %masked_sort3A_1040 : (vector<16xi32>, vector<16xi32>, vector<16xi1>) -> (vector<16xi1>, vector<16xi32>, vector<16xi32>)
        %masked_sort3A_1047 = arith.xori %masked_sort3A_1045, %masked_sort3A_1042 : vector<16xi32>
        %lt3A_1048 = vector.broadcast %max3A_948 : i32 to vector<16xi32>
        %lt3A_1049 = arith.cmpi slt, %masked_sort3A_1047, %lt3A_1048 : vector<16xi32>
        %all_reduce_population_count3A_1050 = tpu.all_reduce %lt3A_1049 {dim = 0 : i64, kind = #tpu.reduction_kind<sum>} : vector<16xi1> -> vector<16xi32>
        %lt3A_1051 = vector.broadcast %select_n3A_944 : i32 to vector<16xi32>
        %lt3A_1052 = arith.cmpi slt, %masked_sort3A_1047, %lt3A_1051 : vector<16xi32>
        %all_reduce_population_count3A_1053 = tpu.all_reduce %lt3A_1052 {dim = 0 : i64, kind = #tpu.reduction_kind<sum>} : vector<16xi1> -> vector<16xi32>
        %add3A_1054 = arith.constant 1 : i32
        %add3A_1055 = vector.broadcast %add3A_1054 : i32 to vector<16xi32>
        %add3A_1056 = arith.addi %all_reduce_population_count3A_1053, %add3A_1055 : vector<16xi32>
        %gt3A_1057 = arith.cmpi sgt, %iota3A, %all_reduce_population_count3A_1050 : vector<16xi32>
        %jit3A_1058 = arith.constant 1 : i32
        %jit3A_1059 = arith.constant 0 : i32
        %broadcast_in_dim3A_1060 = vector.broadcast %jit3A_1058 : i32 to vector<16xi32>
        %broadcast_in_dim3A_1061 = vector.broadcast %jit3A_1059 : i32 to vector<16xi32>
        %select_n3A_1062 = arith.select %gt3A_1057, %broadcast_in_dim3A_1060, %broadcast_in_dim3A_1061 : vector<16xi1>, vector<16xi32>
        %gt3A_1063 = arith.cmpi sgt, %iota3A, %add3A_1056 : vector<16xi32>
        %jit3A_1064 = arith.constant 1 : i32
        %jit3A_1065 = arith.constant 0 : i32
        %broadcast_in_dim3A_1066 = vector.broadcast %jit3A_1064 : i32 to vector<16xi32>
        %broadcast_in_dim3A_1067 = vector.broadcast %jit3A_1065 : i32 to vector<16xi32>
        %select_n3A_1068 = arith.select %gt3A_1063, %broadcast_in_dim3A_1066, %broadcast_in_dim3A_1067 : vector<16xi1>, vector<16xi32>
        %add3A_1069 = arith.addi %select_n3A_1062, %select_n3A_1068 : vector<16xi32>
        %sub3A_1070 = arith.subi %iota3A, %add3A_1069 : vector<16xi32>
        %broadcast_in_dim3A_1071 = vector.shape_cast %sub3A_1070 : vector<16xi32> to vector<16x1xi32>
        %gather3A_1072 = vector.shape_cast %broadcast_in_dim3A_1071 : vector<16x1xi32> to vector<16xi32>
        %gather3A_1073 = tpu.dynamic_gather %masked_sort3A_1047[%gather3A_1072] in [0] : vector<16xi32>, vector<16xi32> -> vector<16xi32>
        %eq3A_1074 = arith.cmpi eq, %iota3A, %all_reduce_population_count3A_1050 : vector<16xi32>
        %eq3A_1075 = arith.cmpi eq, %iota3A, %add3A_1056 : vector<16xi32>
        %broadcast_in_dim3A_1076 = vector.broadcast %select_n3A_944 : i32 to vector<16xi32>
        %select_n3A_1077 = arith.select %eq3A_1075, %broadcast_in_dim3A_1076, %gather3A_1073 : vector<16xi1>, vector<16xi32>
        %broadcast_in_dim3A_1078 = vector.broadcast %max3A_948 : i32 to vector<16xi32>
        %select_n3A_1079 = arith.select %eq3A_1074, %broadcast_in_dim3A_1078, %select_n3A_1077 : vector<16xi1>, vector<16xi32>
        %swap3A_1080 = arith.index_cast %scan3A_903 : i32 to index
        %swap3A_1081 = arith.constant 0 : index
        %swap3A_1082 = tpu.vector_load %arg5[%swap3A_1080, %swap3A_1081] {strides = array<i32>} : memref<512x16xi32, #tpu.memory_space<vmem>>, vector<16xi32>,
        tpu.vector_store %arg5[%swap3A_1080, %swap3A_1081], %select_n3A_1079 {strides = array<i32>} : memref<512x16xi32, #tpu.memory_space<vmem>>, vector<16xi32>,
        %scan3A_1083 = arith.constant 6 : i32
        %scan3A_1084 = arith.addi %scan3A_18, %scan3A_1083 : i32
        %add3A_1085 = arith.addi %add3A_11, %scan3A_1084 : i32
        %jit3A_1086 = arith.constant 4096 : i32
        %eq3A_1087 = arith.constant 0 : i32
        %eq3A_1088 = arith.cmpi eq, %jit3A_1086, %eq3A_1087 : i32
        %jit3A_1089 = arith.constant 1 : i32
        %select_n3A_1090 = arith.select %eq3A_1088, %jit3A_1089, %jit3A_1086 : i32
        %rem3A_1091 = arith.remsi %add3A_1085, %select_n3A_1090 : i32
        %ne3A_1092 = arith.constant 0 : i32
        %ne3A_1093 = arith.cmpi ne, %rem3A_1091, %ne3A_1092 : i32
        %lt3A_1094 = arith.constant 0 : i32
        %lt3A_1095 = arith.cmpi slt, %rem3A_1091, %lt3A_1094 : i32
        %lt3A_1096 = arith.constant 0 : i32
        %lt3A_1097 = arith.cmpi slt, %select_n3A_1090, %lt3A_1096 : i32
        %ne3A_1098 = arith.xori %lt3A_1095, %lt3A_1097 : i1
        %and3A_1099 = arith.andi %ne3A_1098, %ne3A_1093 : i1
        %add3A_1100 = arith.addi %rem3A_1091, %select_n3A_1090 : i32
        %select_n3A_1101 = arith.select %and3A_1099, %add3A_1100, %rem3A_1091 : i32
        %jit3A_1102 = arith.constant 64 : i32
        %div3A_1103 = arith.divsi %select_n3A_1101, %jit3A_1102 : i32
        %sign3A_1104 = arith.constant 0 : i32
        %sign3A_1105 = arith.cmpi sgt, %select_n3A_1101, %sign3A_1104 : i32
        %sign3A_1106 = arith.extui %sign3A_1105 : i1 to i32
        %sign3A_1107 = arith.constant 0 : i32
        %sign3A_1108 = arith.cmpi slt, %select_n3A_1101, %sign3A_1107 : i32
        %sign3A_1109 = arith.extui %sign3A_1108 : i1 to i32
        %sign3A_1110 = arith.subi %sign3A_1106, %sign3A_1109 : i32
        %sign3A_1111 = arith.constant 0 : i32
        %sign3A_1112 = arith.cmpi sgt, %jit3A_1102, %sign3A_1111 : i32
        %sign3A_1113 = arith.extui %sign3A_1112 : i1 to i32
        %sign3A_1114 = arith.constant 0 : i32
        %sign3A_1115 = arith.cmpi slt, %jit3A_1102, %sign3A_1114 : i32
        %sign3A_1116 = arith.extui %sign3A_1115 : i1 to i32
        %sign3A_1117 = arith.subi %sign3A_1113, %sign3A_1116 : i32
        %ne3A_1118 = arith.cmpi ne, %sign3A_1110, %sign3A_1117 : i32
        %rem3A_1119 = arith.remsi %select_n3A_1101, %jit3A_1102 : i32
        %ne3A_1120 = arith.constant 0 : i32
        %ne3A_1121 = arith.cmpi ne, %rem3A_1119, %ne3A_1120 : i32
        %and3A_1122 = arith.andi %ne3A_1118, %ne3A_1121 : i1
        %sub3A_1123 = arith.constant 1 : i32
        %sub3A_1124 = arith.subi %div3A_1103, %sub3A_1123 : i32
        %select_n3A_1125 = arith.select %and3A_1122, %sub3A_1124, %div3A_1103 : i32
        %sub3A_1126 = arith.constant 1 : i32
        %sub3A_1127 = arith.subi %select_n3A_1125, %sub3A_1126 : i32
        %max3A_1128 = arith.constant 0 : i32
        %max3A_1129 = arith.maxsi %sub3A_1127, %max3A_1128 : i32
        %get3A_1130 = arith.index_cast %scan3A_1084 : i32 to index
        %get3A_1131 = arith.constant 0 : index
        %get3A_1132 = tpu.vector_load %arg4[%get3A_1130, %get3A_1131] {strides = array<i32>} : memref<512x64xf32, #tpu.memory_space<vmem>>, vector<16xf32>,
        %add3A_1133 = arith.constant 0 : i32
        %add3A_1134 = vector.broadcast %add3A_1133 : i32 to vector<16xi32>
        %add3A_1135 = arith.addi %iota3A, %add3A_1134 : vector<16xi32>
        %masked_sort3A_1136 = arith.constant dense<true> : vector<16xi1>
        %masked_sort3A_1137, %masked_sort3A_1138, %masked_sort3A_1139 = tpu.sort %get3A_1132, %add3A_1135 masked %masked_sort3A_1136 {descending = true} : (vector<16xf32>, vector<16xi32>, vector<16xi1>) -> (vector<16xi1>, vector<16xf32>, vector<16xi32>)
        %get3A_1140 = arith.index_cast %scan3A_1084 : i32 to index
        %get3A_1141 = arith.constant 16 : index
        %get3A_1142 = tpu.vector_load %arg4[%get3A_1140, %get3A_1141] {strides = array<i32>} : memref<512x64xf32, #tpu.memory_space<vmem>>, vector<16xf32>,
        %add3A_1143 = arith.constant 16 : i32
        %add3A_1144 = vector.broadcast %add3A_1143 : i32 to vector<16xi32>
        %add3A_1145 = arith.addi %iota3A, %add3A_1144 : vector<16xi32>
        %masked_sort3A_1146 = arith.constant dense<true> : vector<16xi1>
        %masked_sort3A_1147, %masked_sort3A_1148, %masked_sort3A_1149 = tpu.sort %get3A_1142, %add3A_1145 masked %masked_sort3A_1146 {descending = true} : (vector<16xf32>, vector<16xi32>, vector<16xi1>) -> (vector<16xi1>, vector<16xf32>, vector<16xi32>)
        %get3A_1150 = arith.index_cast %scan3A_1084 : i32 to index
        %get3A_1151 = arith.constant 32 : index
        %get3A_1152 = tpu.vector_load %arg4[%get3A_1150, %get3A_1151] {strides = array<i32>} : memref<512x64xf32, #tpu.memory_space<vmem>>, vector<16xf32>,
        %add3A_1153 = arith.constant 32 : i32
        %add3A_1154 = vector.broadcast %add3A_1153 : i32 to vector<16xi32>
        %add3A_1155 = arith.addi %iota3A, %add3A_1154 : vector<16xi32>
        %masked_sort3A_1156 = arith.constant dense<true> : vector<16xi1>
        %masked_sort3A_1157, %masked_sort3A_1158, %masked_sort3A_1159 = tpu.sort %get3A_1152, %add3A_1155 masked %masked_sort3A_1156 {descending = true} : (vector<16xf32>, vector<16xi32>, vector<16xi1>) -> (vector<16xi1>, vector<16xf32>, vector<16xi32>)
        %get3A_1160 = arith.index_cast %scan3A_1084 : i32 to index
        %get3A_1161 = arith.constant 48 : index
        %get3A_1162 = tpu.vector_load %arg4[%get3A_1160, %get3A_1161] {strides = array<i32>} : memref<512x64xf32, #tpu.memory_space<vmem>>, vector<16xf32>,
        %add3A_1163 = arith.constant 48 : i32
        %add3A_1164 = vector.broadcast %add3A_1163 : i32 to vector<16xi32>
        %add3A_1165 = arith.addi %iota3A, %add3A_1164 : vector<16xi32>
        %masked_sort3A_1166 = arith.constant dense<true> : vector<16xi1>
        %masked_sort3A_1167, %masked_sort3A_1168, %masked_sort3A_1169 = tpu.sort %get3A_1162, %add3A_1165 masked %masked_sort3A_1166 {descending = true} : (vector<16xf32>, vector<16xi32>, vector<16xi1>) -> (vector<16xi1>, vector<16xf32>, vector<16xi32>)
        %rev3A_1170 = arith.constant 15 : i32
        %rev3A_1171 = vector.broadcast %rev3A_1170 : i32 to vector<16xi32>
        %rev3A_1172 = tpu.iota {dimensions = array<i32: 0>} : vector<16xi32>
        %rev3A_1173 = arith.subi %rev3A_1171, %rev3A_1172 : vector<16xi32>
        %rev3A_1174 = tpu.dynamic_gather %masked_sort3A_1148[%rev3A_1173] in [0] : vector<16xf32>, vector<16xi32> -> vector<16xf32>
        %rev3A_1175 = arith.constant 15 : i32
        %rev3A_1176 = vector.broadcast %rev3A_1175 : i32 to vector<16xi32>
        %rev3A_1177 = tpu.iota {dimensions = array<i32: 0>} : vector<16xi32>
        %rev3A_1178 = arith.subi %rev3A_1176, %rev3A_1177 : vector<16xi32>
        %rev3A_1179 = tpu.dynamic_gather %masked_sort3A_1149[%rev3A_1178] in [0] : vector<16xi32>, vector<16xi32> -> vector<16xi32>
        %ge3A_1180 = arith.cmpf oge, %masked_sort3A_1138, %rev3A_1174 : vector<16xf32>
        %select_n3A_1181 = arith.select %ge3A_1180, %masked_sort3A_1138, %rev3A_1174 : vector<16xi1>, vector<16xf32>
        %select_n3A_1182 = arith.select %ge3A_1180, %masked_sort3A_1139, %rev3A_1179 : vector<16xi1>, vector<16xi32>
        %masked_sort3A_1183 = arith.constant dense<true> : vector<16xi1>
        %masked_sort3A_1184, %masked_sort3A_1185, %masked_sort3A_1186 = tpu.sort %select_n3A_1181, %select_n3A_1182 masked %masked_sort3A_1183 {descending = true} : (vector<16xf32>, vector<16xi32>, vector<16xi1>) -> (vector<16xi1>, vector<16xf32>, vector<16xi32>)
        %rev3A_1187 = arith.constant 15 : i32
        %rev3A_1188 = vector.broadcast %rev3A_1187 : i32 to vector<16xi32>
        %rev3A_1189 = tpu.iota {dimensions = array<i32: 0>} : vector<16xi32>
        %rev3A_1190 = arith.subi %rev3A_1188, %rev3A_1189 : vector<16xi32>
        %rev3A_1191 = tpu.dynamic_gather %masked_sort3A_1168[%rev3A_1190] in [0] : vector<16xf32>, vector<16xi32> -> vector<16xf32>
        %rev3A_1192 = arith.constant 15 : i32
        %rev3A_1193 = vector.broadcast %rev3A_1192 : i32 to vector<16xi32>
        %rev3A_1194 = tpu.iota {dimensions = array<i32: 0>} : vector<16xi32>
        %rev3A_1195 = arith.subi %rev3A_1193, %rev3A_1194 : vector<16xi32>
        %rev3A_1196 = tpu.dynamic_gather %masked_sort3A_1169[%rev3A_1195] in [0] : vector<16xi32>, vector<16xi32> -> vector<16xi32>
        %ge3A_1197 = arith.cmpf oge, %masked_sort3A_1158, %rev3A_1191 : vector<16xf32>
        %select_n3A_1198 = arith.select %ge3A_1197, %masked_sort3A_1158, %rev3A_1191 : vector<16xi1>, vector<16xf32>
        %select_n3A_1199 = arith.select %ge3A_1197, %masked_sort3A_1159, %rev3A_1196 : vector<16xi1>, vector<16xi32>
        %masked_sort3A_1200 = arith.constant dense<true> : vector<16xi1>
        %masked_sort3A_1201, %masked_sort3A_1202, %masked_sort3A_1203 = tpu.sort %select_n3A_1198, %select_n3A_1199 masked %masked_sort3A_1200 {descending = true} : (vector<16xf32>, vector<16xi32>, vector<16xi1>) -> (vector<16xi1>, vector<16xf32>, vector<16xi32>)
        %rev3A_1204 = arith.constant 15 : i32
        %rev3A_1205 = vector.broadcast %rev3A_1204 : i32 to vector<16xi32>
        %rev3A_1206 = tpu.iota {dimensions = array<i32: 0>} : vector<16xi32>
        %rev3A_1207 = arith.subi %rev3A_1205, %rev3A_1206 : vector<16xi32>
        %rev3A_1208 = tpu.dynamic_gather %masked_sort3A_1202[%rev3A_1207] in [0] : vector<16xf32>, vector<16xi32> -> vector<16xf32>
        %rev3A_1209 = arith.constant 15 : i32
        %rev3A_1210 = vector.broadcast %rev3A_1209 : i32 to vector<16xi32>
        %rev3A_1211 = tpu.iota {dimensions = array<i32: 0>} : vector<16xi32>
        %rev3A_1212 = arith.subi %rev3A_1210, %rev3A_1211 : vector<16xi32>
        %rev3A_1213 = tpu.dynamic_gather %masked_sort3A_1203[%rev3A_1212] in [0] : vector<16xi32>, vector<16xi32> -> vector<16xi32>
        %ge3A_1214 = arith.cmpf oge, %masked_sort3A_1185, %rev3A_1208 : vector<16xf32>
        %select_n3A_1215 = arith.select %ge3A_1214, %masked_sort3A_1185, %rev3A_1208 : vector<16xi1>, vector<16xf32>
        %select_n3A_1216 = arith.select %ge3A_1214, %masked_sort3A_1186, %rev3A_1213 : vector<16xi1>, vector<16xi32>
        %masked_sort3A_1217 = arith.constant dense<true> : vector<16xi1>
        %masked_sort3A_1218, %masked_sort3A_1219, %masked_sort3A_1220 = tpu.sort %select_n3A_1215, %select_n3A_1216 masked %masked_sort3A_1217 {descending = true} : (vector<16xf32>, vector<16xi32>, vector<16xi1>) -> (vector<16xi1>, vector<16xf32>, vector<16xi32>)
        %masked_sort3A_1221 = arith.constant dense<true> : vector<16xi1>
        %masked_sort3A_1222 = arith.constant -2147483648 : i32
        %masked_sort3A_1223 = vector.broadcast %masked_sort3A_1222 : i32 to vector<16xi32>
        %masked_sort3A_1224 = arith.xori %masked_sort3A_1220, %masked_sort3A_1223 : vector<16xi32>
        %masked_sort3A_1225, %masked_sort3A_1226, %masked_sort3A_1227 = tpu.sort %masked_sort3A_1224, %masked_sort3A_1220 masked %masked_sort3A_1221 : (vector<16xi32>, vector<16xi32>, vector<16xi1>) -> (vector<16xi1>, vector<16xi32>, vector<16xi32>)
        %masked_sort3A_1228 = arith.xori %masked_sort3A_1226, %masked_sort3A_1223 : vector<16xi32>
        %lt3A_1229 = vector.broadcast %max3A_1129 : i32 to vector<16xi32>
        %lt3A_1230 = arith.cmpi slt, %masked_sort3A_1228, %lt3A_1229 : vector<16xi32>
        %all_reduce_population_count3A_1231 = tpu.all_reduce %lt3A_1230 {dim = 0 : i64, kind = #tpu.reduction_kind<sum>} : vector<16xi1> -> vector<16xi32>
        %lt3A_1232 = vector.broadcast %select_n3A_1125 : i32 to vector<16xi32>
        %lt3A_1233 = arith.cmpi slt, %masked_sort3A_1228, %lt3A_1232 : vector<16xi32>
        %all_reduce_population_count3A_1234 = tpu.all_reduce %lt3A_1233 {dim = 0 : i64, kind = #tpu.reduction_kind<sum>} : vector<16xi1> -> vector<16xi32>
        %add3A_1235 = arith.constant 1 : i32
        %add3A_1236 = vector.broadcast %add3A_1235 : i32 to vector<16xi32>
        %add3A_1237 = arith.addi %all_reduce_population_count3A_1234, %add3A_1236 : vector<16xi32>
        %gt3A_1238 = arith.cmpi sgt, %iota3A, %all_reduce_population_count3A_1231 : vector<16xi32>
        %jit3A_1239 = arith.constant 1 : i32
        %jit3A_1240 = arith.constant 0 : i32
        %broadcast_in_dim3A_1241 = vector.broadcast %jit3A_1239 : i32 to vector<16xi32>
        %broadcast_in_dim3A_1242 = vector.broadcast %jit3A_1240 : i32 to vector<16xi32>
        %select_n3A_1243 = arith.select %gt3A_1238, %broadcast_in_dim3A_1241, %broadcast_in_dim3A_1242 : vector<16xi1>, vector<16xi32>
        %gt3A_1244 = arith.cmpi sgt, %iota3A, %add3A_1237 : vector<16xi32>
        %jit3A_1245 = arith.constant 1 : i32
        %jit3A_1246 = arith.constant 0 : i32
        %broadcast_in_dim3A_1247 = vector.broadcast %jit3A_1245 : i32 to vector<16xi32>
        %broadcast_in_dim3A_1248 = vector.broadcast %jit3A_1246 : i32 to vector<16xi32>
        %select_n3A_1249 = arith.select %gt3A_1244, %broadcast_in_dim3A_1247, %broadcast_in_dim3A_1248 : vector<16xi1>, vector<16xi32>
        %add3A_1250 = arith.addi %select_n3A_1243, %select_n3A_1249 : vector<16xi32>
        %sub3A_1251 = arith.subi %iota3A, %add3A_1250 : vector<16xi32>
        %broadcast_in_dim3A_1252 = vector.shape_cast %sub3A_1251 : vector<16xi32> to vector<16x1xi32>
        %gather3A_1253 = vector.shape_cast %broadcast_in_dim3A_1252 : vector<16x1xi32> to vector<16xi32>
        %gather3A_1254 = tpu.dynamic_gather %masked_sort3A_1228[%gather3A_1253] in [0] : vector<16xi32>, vector<16xi32> -> vector<16xi32>
        %eq3A_1255 = arith.cmpi eq, %iota3A, %all_reduce_population_count3A_1231 : vector<16xi32>
        %eq3A_1256 = arith.cmpi eq, %iota3A, %add3A_1237 : vector<16xi32>
        %broadcast_in_dim3A_1257 = vector.broadcast %select_n3A_1125 : i32 to vector<16xi32>
        %select_n3A_1258 = arith.select %eq3A_1256, %broadcast_in_dim3A_1257, %gather3A_1254 : vector<16xi1>, vector<16xi32>
        %broadcast_in_dim3A_1259 = vector.broadcast %max3A_1129 : i32 to vector<16xi32>
        %select_n3A_1260 = arith.select %eq3A_1255, %broadcast_in_dim3A_1259, %select_n3A_1258 : vector<16xi1>, vector<16xi32>
        %swap3A_1261 = arith.index_cast %scan3A_1084 : i32 to index
        %swap3A_1262 = arith.constant 0 : index
        %swap3A_1263 = tpu.vector_load %arg5[%swap3A_1261, %swap3A_1262] {strides = array<i32>} : memref<512x16xi32, #tpu.memory_space<vmem>>, vector<16xi32>,
        tpu.vector_store %arg5[%swap3A_1261, %swap3A_1262], %select_n3A_1260 {strides = array<i32>} : memref<512x16xi32, #tpu.memory_space<vmem>>, vector<16xi32>,
        %scan3A_1264 = arith.constant 7 : i32
        %scan3A_1265 = arith.addi %scan3A_18, %scan3A_1264 : i32
        %add3A_1266 = arith.addi %add3A_11, %scan3A_1265 : i32
        %jit3A_1267 = arith.constant 4096 : i32
        %eq3A_1268 = arith.constant 0 : i32
        %eq3A_1269 = arith.cmpi eq, %jit3A_1267, %eq3A_1268 : i32
        %jit3A_1270 = arith.constant 1 : i32
        %select_n3A_1271 = arith.select %eq3A_1269, %jit3A_1270, %jit3A_1267 : i32
        %rem3A_1272 = arith.remsi %add3A_1266, %select_n3A_1271 : i32
        %ne3A_1273 = arith.constant 0 : i32
        %ne3A_1274 = arith.cmpi ne, %rem3A_1272, %ne3A_1273 : i32
        %lt3A_1275 = arith.constant 0 : i32
        %lt3A_1276 = arith.cmpi slt, %rem3A_1272, %lt3A_1275 : i32
        %lt3A_1277 = arith.constant 0 : i32
        %lt3A_1278 = arith.cmpi slt, %select_n3A_1271, %lt3A_1277 : i32
        %ne3A_1279 = arith.xori %lt3A_1276, %lt3A_1278 : i1
        %and3A_1280 = arith.andi %ne3A_1279, %ne3A_1274 : i1
        %add3A_1281 = arith.addi %rem3A_1272, %select_n3A_1271 : i32
        %select_n3A_1282 = arith.select %and3A_1280, %add3A_1281, %rem3A_1272 : i32
        %jit3A_1283 = arith.constant 64 : i32
        %div3A_1284 = arith.divsi %select_n3A_1282, %jit3A_1283 : i32
        %sign3A_1285 = arith.constant 0 : i32
        %sign3A_1286 = arith.cmpi sgt, %select_n3A_1282, %sign3A_1285 : i32
        %sign3A_1287 = arith.extui %sign3A_1286 : i1 to i32
        %sign3A_1288 = arith.constant 0 : i32
        %sign3A_1289 = arith.cmpi slt, %select_n3A_1282, %sign3A_1288 : i32
        %sign3A_1290 = arith.extui %sign3A_1289 : i1 to i32
        %sign3A_1291 = arith.subi %sign3A_1287, %sign3A_1290 : i32
        %sign3A_1292 = arith.constant 0 : i32
        %sign3A_1293 = arith.cmpi sgt, %jit3A_1283, %sign3A_1292 : i32
        %sign3A_1294 = arith.extui %sign3A_1293 : i1 to i32
        %sign3A_1295 = arith.constant 0 : i32
        %sign3A_1296 = arith.cmpi slt, %jit3A_1283, %sign3A_1295 : i32
        %sign3A_1297 = arith.extui %sign3A_1296 : i1 to i32
        %sign3A_1298 = arith.subi %sign3A_1294, %sign3A_1297 : i32
        %ne3A_1299 = arith.cmpi ne, %sign3A_1291, %sign3A_1298 : i32
        %rem3A_1300 = arith.remsi %select_n3A_1282, %jit3A_1283 : i32
        %ne3A_1301 = arith.constant 0 : i32
        %ne3A_1302 = arith.cmpi ne, %rem3A_1300, %ne3A_1301 : i32
        %and3A_1303 = arith.andi %ne3A_1299, %ne3A_1302 : i1
        %sub3A_1304 = arith.constant 1 : i32
        %sub3A_1305 = arith.subi %div3A_1284, %sub3A_1304 : i32
        %select_n3A_1306 = arith.select %and3A_1303, %sub3A_1305, %div3A_1284 : i32
        %sub3A_1307 = arith.constant 1 : i32
        %sub3A_1308 = arith.subi %select_n3A_1306, %sub3A_1307 : i32
        %max3A_1309 = arith.constant 0 : i32
        %max3A_1310 = arith.maxsi %sub3A_1308, %max3A_1309 : i32
        %get3A_1311 = arith.index_cast %scan3A_1265 : i32 to index
        %get3A_1312 = arith.constant 0 : index
        %get3A_1313 = tpu.vector_load %arg4[%get3A_1311, %get3A_1312] {strides = array<i32>} : memref<512x64xf32, #tpu.memory_space<vmem>>, vector<16xf32>,
        %add3A_1314 = arith.constant 0 : i32
        %add3A_1315 = vector.broadcast %add3A_1314 : i32 to vector<16xi32>
        %add3A_1316 = arith.addi %iota3A, %add3A_1315 : vector<16xi32>
        %masked_sort3A_1317 = arith.constant dense<true> : vector<16xi1>
        %masked_sort3A_1318, %masked_sort3A_1319, %masked_sort3A_1320 = tpu.sort %get3A_1313, %add3A_1316 masked %masked_sort3A_1317 {descending = true} : (vector<16xf32>, vector<16xi32>, vector<16xi1>) -> (vector<16xi1>, vector<16xf32>, vector<16xi32>)
        %get3A_1321 = arith.index_cast %scan3A_1265 : i32 to index
        %get3A_1322 = arith.constant 16 : index
        %get3A_1323 = tpu.vector_load %arg4[%get3A_1321, %get3A_1322] {strides = array<i32>} : memref<512x64xf32, #tpu.memory_space<vmem>>, vector<16xf32>,
        %add3A_1324 = arith.constant 16 : i32
        %add3A_1325 = vector.broadcast %add3A_1324 : i32 to vector<16xi32>
        %add3A_1326 = arith.addi %iota3A, %add3A_1325 : vector<16xi32>
        %masked_sort3A_1327 = arith.constant dense<true> : vector<16xi1>
        %masked_sort3A_1328, %masked_sort3A_1329, %masked_sort3A_1330 = tpu.sort %get3A_1323, %add3A_1326 masked %masked_sort3A_1327 {descending = true} : (vector<16xf32>, vector<16xi32>, vector<16xi1>) -> (vector<16xi1>, vector<16xf32>, vector<16xi32>)
        %get3A_1331 = arith.index_cast %scan3A_1265 : i32 to index
        %get3A_1332 = arith.constant 32 : index
        %get3A_1333 = tpu.vector_load %arg4[%get3A_1331, %get3A_1332] {strides = array<i32>} : memref<512x64xf32, #tpu.memory_space<vmem>>, vector<16xf32>,
        %add3A_1334 = arith.constant 32 : i32
        %add3A_1335 = vector.broadcast %add3A_1334 : i32 to vector<16xi32>
        %add3A_1336 = arith.addi %iota3A, %add3A_1335 : vector<16xi32>
        %masked_sort3A_1337 = arith.constant dense<true> : vector<16xi1>
        %masked_sort3A_1338, %masked_sort3A_1339, %masked_sort3A_1340 = tpu.sort %get3A_1333, %add3A_1336 masked %masked_sort3A_1337 {descending = true} : (vector<16xf32>, vector<16xi32>, vector<16xi1>) -> (vector<16xi1>, vector<16xf32>, vector<16xi32>)
        %get3A_1341 = arith.index_cast %scan3A_1265 : i32 to index
        %get3A_1342 = arith.constant 48 : index
        %get3A_1343 = tpu.vector_load %arg4[%get3A_1341, %get3A_1342] {strides = array<i32>} : memref<512x64xf32, #tpu.memory_space<vmem>>, vector<16xf32>,
        %add3A_1344 = arith.constant 48 : i32
        %add3A_1345 = vector.broadcast %add3A_1344 : i32 to vector<16xi32>
        %add3A_1346 = arith.addi %iota3A, %add3A_1345 : vector<16xi32>
        %masked_sort3A_1347 = arith.constant dense<true> : vector<16xi1>
        %masked_sort3A_1348, %masked_sort3A_1349, %masked_sort3A_1350 = tpu.sort %get3A_1343, %add3A_1346 masked %masked_sort3A_1347 {descending = true} : (vector<16xf32>, vector<16xi32>, vector<16xi1>) -> (vector<16xi1>, vector<16xf32>, vector<16xi32>)
        %rev3A_1351 = arith.constant 15 : i32
        %rev3A_1352 = vector.broadcast %rev3A_1351 : i32 to vector<16xi32>
        %rev3A_1353 = tpu.iota {dimensions = array<i32: 0>} : vector<16xi32>
        %rev3A_1354 = arith.subi %rev3A_1352, %rev3A_1353 : vector<16xi32>
        %rev3A_1355 = tpu.dynamic_gather %masked_sort3A_1329[%rev3A_1354] in [0] : vector<16xf32>, vector<16xi32> -> vector<16xf32>
        %rev3A_1356 = arith.constant 15 : i32
        %rev3A_1357 = vector.broadcast %rev3A_1356 : i32 to vector<16xi32>
        %rev3A_1358 = tpu.iota {dimensions = array<i32: 0>} : vector<16xi32>
        %rev3A_1359 = arith.subi %rev3A_1357, %rev3A_1358 : vector<16xi32>
        %rev3A_1360 = tpu.dynamic_gather %masked_sort3A_1330[%rev3A_1359] in [0] : vector<16xi32>, vector<16xi32> -> vector<16xi32>
        %ge3A_1361 = arith.cmpf oge, %masked_sort3A_1319, %rev3A_1355 : vector<16xf32>
        %select_n3A_1362 = arith.select %ge3A_1361, %masked_sort3A_1319, %rev3A_1355 : vector<16xi1>, vector<16xf32>
        %select_n3A_1363 = arith.select %ge3A_1361, %masked_sort3A_1320, %rev3A_1360 : vector<16xi1>, vector<16xi32>
        %masked_sort3A_1364 = arith.constant dense<true> : vector<16xi1>
        %masked_sort3A_1365, %masked_sort3A_1366, %masked_sort3A_1367 = tpu.sort %select_n3A_1362, %select_n3A_1363 masked %masked_sort3A_1364 {descending = true} : (vector<16xf32>, vector<16xi32>, vector<16xi1>) -> (vector<16xi1>, vector<16xf32>, vector<16xi32>)
        %rev3A_1368 = arith.constant 15 : i32
        %rev3A_1369 = vector.broadcast %rev3A_1368 : i32 to vector<16xi32>
        %rev3A_1370 = tpu.iota {dimensions = array<i32: 0>} : vector<16xi32>
        %rev3A_1371 = arith.subi %rev3A_1369, %rev3A_1370 : vector<16xi32>
        %rev3A_1372 = tpu.dynamic_gather %masked_sort3A_1349[%rev3A_1371] in [0] : vector<16xf32>, vector<16xi32> -> vector<16xf32>
        %rev3A_1373 = arith.constant 15 : i32
        %rev3A_1374 = vector.broadcast %rev3A_1373 : i32 to vector<16xi32>
        %rev3A_1375 = tpu.iota {dimensions = array<i32: 0>} : vector<16xi32>
        %rev3A_1376 = arith.subi %rev3A_1374, %rev3A_1375 : vector<16xi32>
        %rev3A_1377 = tpu.dynamic_gather %masked_sort3A_1350[%rev3A_1376] in [0] : vector<16xi32>, vector<16xi32> -> vector<16xi32>
        %ge3A_1378 = arith.cmpf oge, %masked_sort3A_1339, %rev3A_1372 : vector<16xf32>
        %select_n3A_1379 = arith.select %ge3A_1378, %masked_sort3A_1339, %rev3A_1372 : vector<16xi1>, vector<16xf32>
        %select_n3A_1380 = arith.select %ge3A_1378, %masked_sort3A_1340, %rev3A_1377 : vector<16xi1>, vector<16xi32>
        %masked_sort3A_1381 = arith.constant dense<true> : vector<16xi1>
        %masked_sort3A_1382, %masked_sort3A_1383, %masked_sort3A_1384 = tpu.sort %select_n3A_1379, %select_n3A_1380 masked %masked_sort3A_1381 {descending = true} : (vector<16xf32>, vector<16xi32>, vector<16xi1>) -> (vector<16xi1>, vector<16xf32>, vector<16xi32>)
        %rev3A_1385 = arith.constant 15 : i32
        %rev3A_1386 = vector.broadcast %rev3A_1385 : i32 to vector<16xi32>
        %rev3A_1387 = tpu.iota {dimensions = array<i32: 0>} : vector<16xi32>
        %rev3A_1388 = arith.subi %rev3A_1386, %rev3A_1387 : vector<16xi32>
        %rev3A_1389 = tpu.dynamic_gather %masked_sort3A_1383[%rev3A_1388] in [0] : vector<16xf32>, vector<16xi32> -> vector<16xf32>
        %rev3A_1390 = arith.constant 15 : i32
        %rev3A_1391 = vector.broadcast %rev3A_1390 : i32 to vector<16xi32>
        %rev3A_1392 = tpu.iota {dimensions = array<i32: 0>} : vector<16xi32>
        %rev3A_1393 = arith.subi %rev3A_1391, %rev3A_1392 : vector<16xi32>
        %rev3A_1394 = tpu.dynamic_gather %masked_sort3A_1384[%rev3A_1393] in [0] : vector<16xi32>, vector<16xi32> -> vector<16xi32>
        %ge3A_1395 = arith.cmpf oge, %masked_sort3A_1366, %rev3A_1389 : vector<16xf32>
        %select_n3A_1396 = arith.select %ge3A_1395, %masked_sort3A_1366, %rev3A_1389 : vector<16xi1>, vector<16xf32>
        %select_n3A_1397 = arith.select %ge3A_1395, %masked_sort3A_1367, %rev3A_1394 : vector<16xi1>, vector<16xi32>
        %masked_sort3A_1398 = arith.constant dense<true> : vector<16xi1>
        %masked_sort3A_1399, %masked_sort3A_1400, %masked_sort3A_1401 = tpu.sort %select_n3A_1396, %select_n3A_1397 masked %masked_sort3A_1398 {descending = true} : (vector<16xf32>, vector<16xi32>, vector<16xi1>) -> (vector<16xi1>, vector<16xf32>, vector<16xi32>)
        %masked_sort3A_1402 = arith.constant dense<true> : vector<16xi1>
        %masked_sort3A_1403 = arith.constant -2147483648 : i32
        %masked_sort3A_1404 = vector.broadcast %masked_sort3A_1403 : i32 to vector<16xi32>
        %masked_sort3A_1405 = arith.xori %masked_sort3A_1401, %masked_sort3A_1404 : vector<16xi32>
        %masked_sort3A_1406, %masked_sort3A_1407, %masked_sort3A_1408 = tpu.sort %masked_sort3A_1405, %masked_sort3A_1401 masked %masked_sort3A_1402 : (vector<16xi32>, vector<16xi32>, vector<16xi1>) -> (vector<16xi1>, vector<16xi32>, vector<16xi32>)
        %masked_sort3A_1409 = arith.xori %masked_sort3A_1407, %masked_sort3A_1404 : vector<16xi32>
        %lt3A_1410 = vector.broadcast %max3A_1310 : i32 to vector<16xi32>
        %lt3A_1411 = arith.cmpi slt, %masked_sort3A_1409, %lt3A_1410 : vector<16xi32>
        %all_reduce_population_count3A_1412 = tpu.all_reduce %lt3A_1411 {dim = 0 : i64, kind = #tpu.reduction_kind<sum>} : vector<16xi1> -> vector<16xi32>
        %lt3A_1413 = vector.broadcast %select_n3A_1306 : i32 to vector<16xi32>
        %lt3A_1414 = arith.cmpi slt, %masked_sort3A_1409, %lt3A_1413 : vector<16xi32>
        %all_reduce_population_count3A_1415 = tpu.all_reduce %lt3A_1414 {dim = 0 : i64, kind = #tpu.reduction_kind<sum>} : vector<16xi1> -> vector<16xi32>
        %add3A_1416 = arith.constant 1 : i32
        %add3A_1417 = vector.broadcast %add3A_1416 : i32 to vector<16xi32>
        %add3A_1418 = arith.addi %all_reduce_population_count3A_1415, %add3A_1417 : vector<16xi32>
        %gt3A_1419 = arith.cmpi sgt, %iota3A, %all_reduce_population_count3A_1412 : vector<16xi32>
        %jit3A_1420 = arith.constant 1 : i32
        %jit3A_1421 = arith.constant 0 : i32
        %broadcast_in_dim3A_1422 = vector.broadcast %jit3A_1420 : i32 to vector<16xi32>
        %broadcast_in_dim3A_1423 = vector.broadcast %jit3A_1421 : i32 to vector<16xi32>
        %select_n3A_1424 = arith.select %gt3A_1419, %broadcast_in_dim3A_1422, %broadcast_in_dim3A_1423 : vector<16xi1>, vector<16xi32>
        %gt3A_1425 = arith.cmpi sgt, %iota3A, %add3A_1418 : vector<16xi32>
        %jit3A_1426 = arith.constant 1 : i32
        %jit3A_1427 = arith.constant 0 : i32
        %broadcast_in_dim3A_1428 = vector.broadcast %jit3A_1426 : i32 to vector<16xi32>
        %broadcast_in_dim3A_1429 = vector.broadcast %jit3A_1427 : i32 to vector<16xi32>
        %select_n3A_1430 = arith.select %gt3A_1425, %broadcast_in_dim3A_1428, %broadcast_in_dim3A_1429 : vector<16xi1>, vector<16xi32>
        %add3A_1431 = arith.addi %select_n3A_1424, %select_n3A_1430 : vector<16xi32>
        %sub3A_1432 = arith.subi %iota3A, %add3A_1431 : vector<16xi32>
        %broadcast_in_dim3A_1433 = vector.shape_cast %sub3A_1432 : vector<16xi32> to vector<16x1xi32>
        %gather3A_1434 = vector.shape_cast %broadcast_in_dim3A_1433 : vector<16x1xi32> to vector<16xi32>
        %gather3A_1435 = tpu.dynamic_gather %masked_sort3A_1409[%gather3A_1434] in [0] : vector<16xi32>, vector<16xi32> -> vector<16xi32>
        %eq3A_1436 = arith.cmpi eq, %iota3A, %all_reduce_population_count3A_1412 : vector<16xi32>
        %eq3A_1437 = arith.cmpi eq, %iota3A, %add3A_1418 : vector<16xi32>
        %broadcast_in_dim3A_1438 = vector.broadcast %select_n3A_1306 : i32 to vector<16xi32>
        %select_n3A_1439 = arith.select %eq3A_1437, %broadcast_in_dim3A_1438, %gather3A_1435 : vector<16xi1>, vector<16xi32>
        %broadcast_in_dim3A_1440 = vector.broadcast %max3A_1310 : i32 to vector<16xi32>
        %select_n3A_1441 = arith.select %eq3A_1436, %broadcast_in_dim3A_1440, %select_n3A_1439 : vector<16xi1>, vector<16xi32>
        %swap3A_1442 = arith.index_cast %scan3A_1265 : i32 to index
        %swap3A_1443 = arith.constant 0 : index
        %swap3A_1444 = tpu.vector_load %arg5[%swap3A_1442, %swap3A_1443] {strides = array<i32>} : memref<512x16xi32, #tpu.memory_space<vmem>>, vector<16xi32>,
        tpu.vector_store %arg5[%swap3A_1442, %swap3A_1443], %select_n3A_1441 {strides = array<i32>} : memref<512x16xi32, #tpu.memory_space<vmem>>, vector<16xi32>,
      }
      %scan3A_17 = arith.constant 512 : i32
      "tpu.region"() ({
        %run_scoped3A = tpu.sem_alloc : memref<!tpu.dma_semaphore, #tpu.memory_space<semaphore_mem>>
        %dma_start3A = arith.constant 0 : i32
        %dma_start3A_18 = tpu.memref_slice %arg3[%add3A_11, %dma_start3A] : memref<65536x16xi32, #tpu.memory_space<hbm>> -> memref<512x16xi32, #tpu.memory_space<hbm>>
        %dma_start3A_19 = arith.constant 0 : i32
        %dma_start3A_20 = tpu.memref_slice %arg3[%add3A_11, %dma_start3A_19] : memref<65536x16xi32, #tpu.memory_space<hbm>> -> memref<512x16xi32, #tpu.memory_space<hbm>>
        tpu.enqueue_dma source(%arg5 : memref<512x16xi32, #tpu.memory_space<vmem>>) target(%dma_start3A_20 : memref<512x16xi32, #tpu.memory_space<hbm>>) target_semaphore(%run_scoped3A : memref<!tpu.dma_semaphore, #tpu.memory_space<semaphore_mem>>)
        %dma_wait3A = arith.constant 0 : i32
        %dma_wait3A_21 = tpu.memref_slice %arg3[%add3A_11, %dma_wait3A] : memref<65536x16xi32, #tpu.memory_space<hbm>> -> memref<512x16xi32, #tpu.memory_space<hbm>>
        %dma_wait3A_22 = arith.constant 0 : i32
        %dma_wait3A_23 = tpu.memref_slice %arg3[%add3A_11, %dma_wait3A_22] : memref<65536x16xi32, #tpu.memory_space<hbm>> -> memref<512x16xi32, #tpu.memory_space<hbm>>
        tpu.wait_dma2 semaphore(%run_scoped3A : memref<!tpu.dma_semaphore, #tpu.memory_space<semaphore_mem>>) src(%arg5 : memref<512x16xi32, #tpu.memory_space<vmem>>) dst(%dma_wait3A_23 : memref<512x16xi32, #tpu.memory_space<hbm>>)
        tpu.yield
      }) : () -> ()
    }
    %scan3A_5 = arith.constant 4 : i32
    return
  }
}

module attributes {stable_mosaic.version = 14 : i64} {
  func.func @_scores_body(%arg0: i32, %arg1: i32, %arg2: i32, %arg3: memref<1x1x4096x64xf32, #tpu.memory_space<vmem>>, %arg4: memref<1x1x4096x64xf32, #tpu.memory_space<vmem>>, %arg5: memref<1x64x16xf32, #tpu.memory_space<vmem>>, %arg6: memref<1x64x16xf32, #tpu.memory_space<vmem>>, %arg7: memref<8x1xf32, #tpu.memory_space<vmem>>, %arg8: memref<1x1x4096x64xf32, #tpu.memory_space<vmem>>, %arg9: memref<64x16xf32, #tpu.memory_space<vmem>>) attributes {dimension_semantics = [#tpu.dimension_semantics<parallel>, #tpu.dimension_semantics<parallel>, #tpu.dimension_semantics<arbitrary>], iteration_bounds = array<i64: 2, 8, 1>, scalar_prefetch = 0 : i64, scratch_operands = 1 : i64, tpu.core_type = #tpu.core_type<tc>, window_params = [{transform_indices = @transform_0, window_bounds = array<i64: 1, 1, 4096, 64>}, {transform_indices = @transform_1, window_bounds = array<i64: 1, 1, 4096, 64>}, {transform_indices = @transform_2, window_bounds = array<i64: 1, 64, 16>}, {transform_indices = @transform_3, window_bounds = array<i64: 1, 64, 16>}, {pipeline_mode = #tpu.pipeline_mode<synchronous>, transform_indices = @transform_4, window_bounds = array<i64: 8, 1>}, {transform_indices = @transform_5, window_bounds = array<i64: 1, 1, 4096, 64>}]} {
    %eq3A = arith.constant 0 : i32
    %eq3A_0 = arith.cmpi eq, %arg2, %eq3A : i32
    %convert_element_type3A = arith.extui %eq3A_0 : i1 to i32
    %cond3A = arith.constant 0 : i32
    %cond3A_1 = arith.cmpi ne, %convert_element_type3A, %cond3A : i32
    scf.if %cond3A_1 {
      %get3A_58 = arith.constant 0 : index
      %get3A_59 = arith.constant 0 : index
      %get3A_60 = arith.constant 0 : index
      %get3A_61 = arith.constant 0 : index
      %get3A_62 = vector.load %arg4[%get3A_58, %get3A_59, %get3A_60, %get3A_61] : memref<1x1x4096x64xf32, #tpu.memory_space<vmem>>, vector<1x1x4096x64xf32>
      %get3A_63 = vector.shape_cast %get3A_62 : vector<1x1x4096x64xf32> to vector<4096x64xf32>
      %reshape3A = vector.shape_cast %get3A_63 : vector<4096x64xf32> to vector<64x64x64xf32>
      %reduce_sum3A = arith.constant dense<0.000000e+00> : vector<64x64xf32>
      %reduce_sum3A_64 = vector.multi_reduction <add>, %reshape3A, %reduce_sum3A [1] : vector<64x64x64xf32> to vector<64x64xf32>
      %div3A_65 = arith.constant 6.400000e+01 : f32
      %div3A_66 = vector.broadcast %div3A_65 : f32 to vector<64x64xf32>
      %div3A_67 = arith.divf %reduce_sum3A_64, %div3A_66 : vector<64x64xf32>
      %get3A_68 = arith.constant 0 : index
      %get3A_69 = arith.constant 0 : index
      %get3A_70 = arith.constant 0 : index
      %get3A_71 = vector.load %arg6[%get3A_68, %get3A_69, %get3A_70] : memref<1x64x16xf32, #tpu.memory_space<vmem>>, vector<1x64x16xf32>
      %get3A_72 = vector.shape_cast %get3A_71 : vector<1x64x16xf32> to vector<64x16xf32>
      %dot_general3A_73 = arith.constant dense<0.000000e+00> : vector<64x16xf32>
      %dot_general3A_74 = tpu.matmul %div3A_67, %get3A_72, %dot_general3A_73 {dimension_numbers = #tpu.dot_dimension_numbers<[1], [0], [0], [1], [0, 0, 1, 1], [], []>, transpose_lhs_hint = false} : vector<64x64xf32>, vector<64x16xf32>, vector<64x16xf32> -> vector<64x16xf32>
      %get3A_75 = arith.constant 0 : index
      %get3A_76 = arith.constant 0 : index
      %get3A_77 = vector.load %arg7[%get3A_75, %get3A_76] : memref<8x1xf32, #tpu.memory_space<vmem>>, vector<8x1xf32>
      %iota3A_78 = tpu.iota {dimensions = array<i32: 0>} : vector<8x1xi32>
      %eq3A_79 = vector.broadcast %arg1 : i32 to vector<8x1xi32>
      %eq3A_80 = arith.cmpi eq, %iota3A_78, %eq3A_79 : vector<8x1xi32>
      %jit3A_81 = arith.constant 0.000000e+00 : f32
      %broadcast_in_dim3A = vector.broadcast %jit3A_81 : f32 to vector<8x1xf32>
      %select_n3A_82 = arith.select %eq3A_80, %get3A_77, %broadcast_in_dim3A : vector<8x1xi1>, vector<8x1xf32>
      %reduce_sum3A_83 = vector.shape_cast %select_n3A_82 : vector<8x1xf32> to vector<1x8x1xf32>
      %reduce_sum3A_84 = arith.constant dense<0.000000e+00> : vector<1xf32>
      %reduce_sum3A_85 = vector.multi_reduction <add>, %reduce_sum3A_83, %reduce_sum3A_84 [1, 2] : vector<1x8x1xf32> to vector<1xf32>
      %reduce_sum3A_86 = vector.shape_cast %reduce_sum3A_85 : vector<1xf32> to vector<1x1x1xf32>
      %reduce_sum3A_87 = vector.extract %reduce_sum3A_86[0, 0, 0] : f32 from vector<1x1x1xf32>
      %exp3A = math.exp %reduce_sum3A_87 : f32
      %mul3A_88 = vector.broadcast %exp3A : f32 to vector<64x16xf32>
      %mul3A_89 = arith.mulf %dot_general3A_74, %mul3A_88 : vector<64x16xf32>
      %swap3A_90 = arith.constant 0 : index
      %swap3A_91 = arith.constant 0 : index
      %swap3A_92 = vector.load %arg9[%swap3A_90, %swap3A_91] : memref<64x16xf32, #tpu.memory_space<vmem>>, vector<64x16xf32>
      tpu.vector_store %arg9[%swap3A_90, %swap3A_91], %mul3A_89 {strides = array<i32>} : memref<64x16xf32, #tpu.memory_space<vmem>>, vector<64x16xf32>,
    } else {
    }
    %get3A = arith.constant 0 : index
    %get3A_2 = arith.constant 0 : index
    %get3A_3 = arith.constant 0 : index
    %get3A_4 = arith.constant 0 : index
    %get3A_5 = vector.load %arg3[%get3A, %get3A_2, %get3A_3, %get3A_4] : memref<1x1x4096x64xf32, #tpu.memory_space<vmem>>, vector<1x1x4096x64xf32>
    %get3A_6 = vector.shape_cast %get3A_5 : vector<1x1x4096x64xf32> to vector<4096x64xf32>
    %get3A_7 = arith.constant 0 : index
    %get3A_8 = arith.constant 0 : index
    %get3A_9 = arith.constant 0 : index
    %get3A_10 = vector.load %arg5[%get3A_7, %get3A_8, %get3A_9] : memref<1x64x16xf32, #tpu.memory_space<vmem>>, vector<1x64x16xf32>
    %get3A_11 = vector.shape_cast %get3A_10 : vector<1x64x16xf32> to vector<64x16xf32>
    %dot_general3A = arith.constant dense<0.000000e+00> : vector<4096x16xf32>
    %dot_general3A_12 = tpu.matmul %get3A_6, %get3A_11, %dot_general3A {dimension_numbers = #tpu.dot_dimension_numbers<[1], [0], [0], [1], [0, 0, 1, 1], [], []>, transpose_lhs_hint = false} : vector<4096x64xf32>, vector<64x16xf32>, vector<4096x16xf32> -> vector<4096x16xf32>
    %get3A_13 = arith.constant 0 : index
    %get3A_14 = arith.constant 0 : index
    %get3A_15 = vector.load %arg9[%get3A_13, %get3A_14] : memref<64x16xf32, #tpu.memory_space<vmem>>, vector<64x16xf32>
    %dot_general3A_16 = arith.constant dense<0.000000e+00> : vector<64x4096xf32>
    %dot_general3A_17 = tpu.matmul %get3A_15, %dot_general3A_12, %dot_general3A_16 {dimension_numbers = #tpu.dot_dimension_numbers<[1], [1], [0], [0], [0, 0, 1, 0], [], []>, transpose_lhs_hint = false} : vector<64x16xf32>, vector<4096x16xf32>, vector<64x4096xf32> -> vector<64x4096xf32>
    %iota3A = tpu.iota {dimensions = array<i32: 0>} : vector<64x4096xi32>
    %mul3A = arith.constant 4096 : i32
    %mul3A_18 = arith.muli %arg2, %mul3A : i32
    %iota3A_19 = tpu.iota {dimensions = array<i32: 1>} : vector<64x4096xi32>
    %add3A = vector.broadcast %mul3A_18 : i32 to vector<64x4096xi32>
    %add3A_20 = arith.addi %add3A, %iota3A_19 : vector<64x4096xi32>
    %jit3A = arith.constant 64 : i32
    %div3A = vector.broadcast %jit3A : i32 to vector<64x4096xi32>
    %div3A_21 = arith.divsi %add3A_20, %div3A : vector<64x4096xi32>
    %sign3A = arith.constant 0 : i32
    %sign3A_22 = vector.broadcast %sign3A : i32 to vector<64x4096xi32>
    %sign3A_23 = arith.cmpi sgt, %add3A_20, %sign3A_22 : vector<64x4096xi32>
    %sign3A_24 = arith.extui %sign3A_23 : vector<64x4096xi1> to vector<64x4096xi32>
    %sign3A_25 = arith.constant 0 : i32
    %sign3A_26 = vector.broadcast %sign3A_25 : i32 to vector<64x4096xi32>
    %sign3A_27 = arith.cmpi slt, %add3A_20, %sign3A_26 : vector<64x4096xi32>
    %sign3A_28 = arith.extui %sign3A_27 : vector<64x4096xi1> to vector<64x4096xi32>
    %sign3A_29 = arith.subi %sign3A_24, %sign3A_28 : vector<64x4096xi32>
    %sign3A_30 = arith.constant 0 : i32
    %sign3A_31 = arith.cmpi sgt, %jit3A, %sign3A_30 : i32
    %sign3A_32 = arith.extui %sign3A_31 : i1 to i32
    %sign3A_33 = arith.constant 0 : i32
    %sign3A_34 = arith.cmpi slt, %jit3A, %sign3A_33 : i32
    %sign3A_35 = arith.extui %sign3A_34 : i1 to i32
    %sign3A_36 = arith.subi %sign3A_32, %sign3A_35 : i32
    %ne3A = vector.broadcast %sign3A_36 : i32 to vector<64x4096xi32>
    %ne3A_37 = arith.cmpi ne, %sign3A_29, %ne3A : vector<64x4096xi32>
    %rem3A = vector.broadcast %jit3A : i32 to vector<64x4096xi32>
    %rem3A_38 = arith.remsi %add3A_20, %rem3A : vector<64x4096xi32>
    %ne3A_39 = arith.constant 0 : i32
    %ne3A_40 = vector.broadcast %ne3A_39 : i32 to vector<64x4096xi32>
    %ne3A_41 = arith.cmpi ne, %rem3A_38, %ne3A_40 : vector<64x4096xi32>
    %and3A = arith.andi %ne3A_37, %ne3A_41 : vector<64x4096xi1>
    %sub3A = arith.constant 1 : i32
    %sub3A_42 = vector.broadcast %sub3A : i32 to vector<64x4096xi32>
    %sub3A_43 = arith.subi %div3A_21, %sub3A_42 : vector<64x4096xi32>
    %select_n3A = arith.select %and3A, %sub3A_43, %div3A_21 : vector<64x4096xi1>, vector<64x4096xi32>
    %gt3A = arith.cmpi sgt, %iota3A, %select_n3A : vector<64x4096xi32>
    %add3A_44 = arith.constant 1 : i32
    %add3A_45 = vector.broadcast %add3A_44 : i32 to vector<64x4096xi32>
    %add3A_46 = arith.addi %iota3A, %add3A_45 : vector<64x4096xi32>
    %convert_element_type3A_47 = arith.sitofp %add3A_46 : vector<64x4096xi32> to vector<64x4096xf32>
    %mul3A_48 = arith.constant -1.000000e+30 : f32
    %mul3A_49 = vector.broadcast %mul3A_48 : f32 to vector<64x4096xf32>
    %mul3A_50 = arith.mulf %mul3A_49, %convert_element_type3A_47 : vector<64x4096xf32>
    %select_n3A_51 = arith.select %gt3A, %mul3A_50, %dot_general3A_17 : vector<64x4096xi1>, vector<64x4096xf32>
    %transpose3A = tpu.transpose %select_n3A_51, [1, 0] : vector<64x4096xf32> -> vector<4096x64xf32>
    %swap3A = arith.constant 0 : index
    %swap3A_52 = arith.constant 0 : index
    %swap3A_53 = arith.constant 0 : index
    %swap3A_54 = arith.constant 0 : index
    %swap3A_55 = vector.load %arg8[%swap3A, %swap3A_52, %swap3A_53, %swap3A_54] : memref<1x1x4096x64xf32, #tpu.memory_space<vmem>>, vector<1x1x4096x64xf32>
    %swap3A_56 = vector.shape_cast %swap3A_55 : vector<1x1x4096x64xf32> to vector<4096x64xf32>
    %swap3A_57 = vector.shape_cast %transpose3A : vector<4096x64xf32> to vector<1x1x4096x64xf32>
    tpu.vector_store %arg8[%swap3A, %swap3A_52, %swap3A_53, %swap3A_54], %swap3A_57 {strides = array<i32>} : memref<1x1x4096x64xf32, #tpu.memory_space<vmem>>, vector<1x1x4096x64xf32>,
    return
  }
  func.func @transform_0(%arg0: i32, %arg1: i32, %arg2: i32) -> (i32, i32, i32, i32) {
    %c0_i32 = arith.constant 0 : i32
    %c0_i32_0 = arith.constant 0 : i32
    return %arg0, %arg1, %arg2, %c0_i32 : i32, i32, i32, i32
  }
  func.func @transform_1(%arg0: i32, %arg1: i32, %arg2: i32) -> (i32, i32, i32, i32) {
    %c0_i32 = arith.constant 0 : i32
    %c0_i32_0 = arith.constant 0 : i32
    %c0_i32_1 = arith.constant 0 : i32
    return %arg0, %arg1, %c0_i32, %c0_i32_0 : i32, i32, i32, i32
  }
  func.func @transform_2(%arg0: i32, %arg1: i32, %arg2: i32) -> (i32, i32, i32) {
    %c0_i32 = arith.constant 0 : i32
    %c0_i32_0 = arith.constant 0 : i32
    %c0_i32_1 = arith.constant 0 : i32
    return %arg1, %c0_i32, %c0_i32_0 : i32, i32, i32
  }
  func.func @transform_3(%arg0: i32, %arg1: i32, %arg2: i32) -> (i32, i32, i32) {
    %c0_i32 = arith.constant 0 : i32
    %c0_i32_0 = arith.constant 0 : i32
    %c0_i32_1 = arith.constant 0 : i32
    return %arg1, %c0_i32, %c0_i32_0 : i32, i32, i32
  }
  func.func @transform_4(%arg0: i32, %arg1: i32, %arg2: i32) -> (i32, i32) {
    %c0_i32 = arith.constant 0 : i32
    %c0_i32_0 = arith.constant 0 : i32
    %c0_i32_1 = arith.constant 0 : i32
    return %c0_i32, %c0_i32_0 : i32, i32
  }
  func.func @transform_5(%arg0: i32, %arg1: i32, %arg2: i32) -> (i32, i32, i32, i32) {
    %c0_i32 = arith.constant 0 : i32
    %c0_i32_0 = arith.constant 0 : i32
    return %arg0, %arg1, %arg2, %c0_i32 : i32, i32, i32, i32
  }
}

</mosaic_0001>

<sc_bundles>
// kernel: kernel.4.cloned.1.call-start
scs
__scs_entry_jumppad:
0x0: {  	(pc) =	sbr.rel $0x88, $3  }
0x1: {  	(tag) =	ssettag $0x0;
	lr =	simm.s32 $0x1  }
0x2: {  	[smem:$0x3F9C] =	sst lr;
	_ =	strace $0xD0000000  }
0x3: {  	_ = 	snop  }
0x4: {  	_ = 	snop  }
0x5: {  	_ = 	snop  }
0x6: {  	_ = 	snop  }
0x7: {  	_ = 	snop  }
__scs_overlays_trampoline_lowered:
0x8: {  	[smem:$0x3FAB] =	sst s0  }
0x9: {  	[smem:$0x3FAC] =	sst s1  }
0xa: {  	[smem:$0x3FAD] =	sst s2  }
0xb: {  	[smem:$0x3FAE] =	sst s3  }
0xc: {  	[smem:$0x3FAF] =	sst s4  }
0xd: {  	[smem:$0x3FB0] =	sst s5  }
0xe: {  	[smem:$0x3FB1] =	sst s6  }
0xf: {  	[smem:$0x3FB2] =	sst s7  }
0x10: {  	[smem:$0x3FB3] =	sst s8  }
0x11: {  	[smem:$0x3FB4] =	sst s9;
	s0 =	simm.s32 @!p0 $0x0  }
0x12: {  	s1 =	sld [smem:$0x3F9A];
	s0 =	simm.s32 @p0 $0x1  }
0x13: {  	[smem:$0x3FB5] =	sst s0;
	s0 =	simm.s32 @!p1 $0x0  }
0x14: {  	s2 =	sld [smem:$0x3F99];
	s0 =	simm.s32 @p1 $0x1  }
0x15: {  	[smem:$0x3FB6] =	sst s0;
	s0 =	simm.s32 @!p2 $0x0  }
0x16: {  	s3 =	sld [smem:$0x3FDB];
	s0 =	simm.s32 @p2 $0x1  }
0x17: {  	s4 =	simm.s32 $0x1BF5;
	[smem:$0x3FB8] =	sst s0  }
0x18: {  	s0 =	sld [smem:$0x3F9B];
	_ =	swait.ge [sflag:s4], $0x0  }
0x19: {  	s7 =	sld [smem:$0x3F9C]  }
0x1a: {  	s8 =	sadd.s32 $0xFFFFE003, lr  }
0x1b: {  	s9 =	sadd.s32 $0xFFFFFEF7, lr;
	s5 =	simm.s32 $0xFFFFFFFF;
	p2 =	slt.u32 s8, $0xFFFFF086  }
0x1c: {  	p1 =	slt.u32 s9, $0xF7A;
	s5 =	simm.s32 @!p2 $0x0  }
0x1d: {  	s5 =	simm.s32 @p1 $0x1;
	p0 =	seq.s32 s7, s2  }
0x1e: {  	s7 =	smul.u32 @!p0 $0xF7A, s2;
	p2 =	seq.s32 @!p0 s5, $0x0  }
0x1f: {  	s9 =	smul.u32 $0xF7A, s1;
	s8 =	simm.s32 @!p0 $0x1BF5;
	p2 =	por !p2, p0  }
0x20: {  	[sflag:s8] =	ssyncset.s32 @!p0 $0xFFFFF086;
	s6 =	sadd.s32 @!p0 s3, s7;
	s7 =	simm.s32 @!p0 $0x108  }
0x21: {  	s3 =	sadd.s32 s3, s9;
	s6 =	sadd.s32 @!p0 $0x88, s6;
	s7 =	simm.s32 @p2 $0x1082  }
0x22: {  	[simem:s7], [sflag:s8] =	dma.local @!p0 [hbm:s6], $0xF7A  }
0x23: {  	s9 =	sor.u32 $0xD0000000, s2;
	s6 =	simm.s32 $0x108;
	_ =	swait.ge @!p0 [sflag:s8], $0x0  }
0x24: {  	s3 =	sadd.s32 $0x88, s3;
	s6 =	simm.s32 @!p1 $0x1082;
	[sflag:s4] =	ssyncset.s32 $0xFFFFF086  }
0x25: {  	[simem:s6], [sflag:s4] =	dma.local [hbm:s3], $0xF7A  }
0x26: {  	[smem:$0x3F9C] =	sst s1;
	(tag) =	ssettag s2;
	_ =	strace s9  }
0x27: {  	s1 =	sld [smem:$0x3FAC]  }
0x28: {  	s2 =	sld [smem:$0x3FAD]  }
0x29: {  	s4 =	sld [smem:$0x3FAF]  }
0x2a: {  	p0 =	seq.s32 s5, $0x0;
	s5 =	sld [smem:$0x3FB0]  }
0x2b: {  	s6 =	sld [smem:$0x3FB1]  }
0x2c: {  	s7 =	sld [smem:$0x3FB2]  }
0x2d: {  	s3 =	simm.s32 $0x108;
	s8 =	sld [smem:$0x3FB3]  }
0x2e: {  	s3 =	simm.s32 @!p0 $0x1082;
	s9 =	sld [smem:$0x3FB4]  }
0x2f: {  	lr =	sadd.s32 s0, s3;
	s0 =	sld [smem:$0x3FAB]  }
0x30: {  	s3 =	sld [smem:$0x3FAE]  }
0x31: {  	[smem:$0x3FB7] =	sst s10  }
0x32: {  	s10 =	sld [smem:$0x3FB5];
	_ =	sdelay $0x3  }
0x33: {  	p0 =	seq.s32 s10, $0x1;
	s10 =	sld [smem:$0x3FB7];
	_ =	sdelay $0x3  }
0x34: {  	[smem:$0x3FB7] =	sst s10  }
0x35: {  	s10 =	sld [smem:$0x3FB6];
	_ =	sdelay $0x3  }
0x36: {  	p1 =	seq.s32 s10, $0x1;
	s10 =	sld [smem:$0x3FB7];
	_ =	sdelay $0x3  }
0x37: {  	[smem:$0x3FB7] =	sst s10  }
0x38: {  	s10 =	sld [smem:$0x3FB8]  }
0x39: {  	_ = 	snop;
	(pc) =	sbr.ind lr, $3  }
0x3a: {  	_ = 	snop  }
0x3b: {  	_ = 	snop  }
0x3c: {  	p2 =	seq.s32 s10, $0x1;
	s10 =	sld [smem:$0x3FB7]  }
0x3d: {  	_ =	shalt  }
0x3e: {  	_ =	shalt  }
0x3f: {  	_ =	shalt  }
0x40: {  	_ =	shalt  }
0x41: {  	_ =	shalt  }
0x42: {  	_ =	shalt  }
0x43: {  	_ =	shalt  }
0x44: {  	_ =	shalt  }
0x45: {  	_ =	shalt  }
0x46: {  	_ =	shalt  }
0x47: {  	_ =	shalt  }
0x48: {  	_ =	shalt  }
0x49: {  	_ =	shalt  }
0x4a: {  	_ =	shalt  }
0x4b: {  	_ =	shalt  }
0x4c: {  	_ =	shalt  }
0x4d: {  	_ =	shalt  }
0x4e: {  	_ =	shalt  }
0x4f: {  	_ =	shalt  }
0x50: {  	_ =	shalt  }
0x51: {  	_ =	shalt  }
0x52: {  	_ =	shalt  }
0x53: {  	_ =	shalt  }
0x54: {  	_ =	shalt  }
0x55: {  	_ =	shalt  }
0x56: {  	_ =	shalt  }
0x57: {  	_ =	shalt  }
0x58: {  	_ =	shalt  }
0x59: {  	_ =	shalt  }
0x5a: {  	_ =	shalt  }
0x5b: {  	_ =	shalt  }
0x5c: {  	_ =	shalt  }
0x5d: {  	_ =	shalt  }
0x5e: {  	_ =	shalt  }
0x5f: {  	_ =	shalt  }
0x60: {  	_ =	shalt  }
0x61: {  	_ =	shalt  }
0x62: {  	_ =	shalt  }
0x63: {  	_ =	shalt  }
0x64: {  	_ =	shalt  }
0x65: {  	_ =	shalt  }
0x66: {  	_ =	shalt  }
0x67: {  	_ =	shalt  }
0x68: {  	_ =	shalt  }
0x69: {  	_ =	shalt  }
0x6a: {  	_ =	shalt  }
0x6b: {  	_ =	shalt  }
0x6c: {  	_ =	shalt  }
0x6d: {  	_ =	shalt  }
0x6e: {  	_ =	shalt  }
0x6f: {  	_ =	shalt  }
0x70: {  	_ =	shalt  }
0x71: {  	_ =	shalt  }
0x72: {  	_ =	shalt  }
0x73: {  	_ =	shalt  }
0x74: {  	_ =	shalt  }
0x75: {  	_ =	shalt  }
0x76: {  	_ =	shalt  }
0x77: {  	_ =	shalt  }
0x78: {  	_ =	shalt  }
0x79: {  	_ =	shalt  }
0x7a: {  	_ =	shalt  }
0x7b: {  	_ =	shalt  }
0x7c: {  	_ =	shalt  }
0x7d: {  	_ =	shalt  }
0x7e: {  	_ =	shalt  }
0x7f: {  	_ =	shalt  }
0x80: {  	_ =	shalt  }
0x81: {  	_ =	shalt  }
0x82: {  	_ =	shalt  }
0x83: {  	_ =	shalt  }
0x84: {  	_ =	shalt  }
0x85: {  	_ =	shalt  }
0x86: {  	_ =	shalt  }
0x87: {  	_ =	shalt  }
.Lfunc_end0:
.L_simem_size_0:
called_computation_lowered:
.L_overlay_start_0:
0x88: {  	s2 =	sld [smem:$0x3FD9]  }
0x89: {  	s3 =	sld [smem:$0x3FFE];
	_ =	sdelay $0x1  }
0x8a: {  	s1 =	srdreg.scid  }
0x8b: {  	s0 =	sand.u32 $0x1, s1  }
0x8c: {  	s16 =	sshll.u32 s0, $0xA;
	s2 =	sadd.s32 s3, s2  }
0x8d: {  	s2 =	sadd.s32 s2, s16  }
0x8e: {  	[smem:$0x3FC3] =	sst s2  }
0x8f: {  	_ = 	snop  }
0x90: {  	(tm) =	ssettm $0x1  }
0x91: {  	s17 =	sld [smem:$0x3FFB];
	_ =	sdelay $0x3  }
0x92: {  	_ =	strace s17  }
0x93: {  	s2 =	sld [smem:$0x3FFC];
	_ =	sdelay $0x3  }
0x94: {  	_ =	strace s2  }
0x95: {  	s2 =	sld [smem:$0x3FFD];
	_ =	sdelay $0x3  }
0x96: {  	_ =	strace s2  }
0x97: {  	_ =	strace $0x8FFFFFFF  }
0x98: {  	s18 =	sld [smem:$0x3FDB];
	_ =	sdelay $0x1  }
0x99: {  	s19 =	simm.s32 $_scs_section_size  }
0x9a: {  	s4 =	simm.s32 $_size__tile_overlayer_lowered;
	s5 =	simm.s32 $_tile_overlayer_lowered  }
0x9b: {  	s22 =	simm.s32 $0x1BFF;
	s21 =	sshll.u32 s5, $0x1;
	s2 =	sadd.s32 s19, s18  }
0x9c: {  	s6 =	simm.s32 $0x0;
	s20 =	sshll.u32 s4, $0x1;
	s4 =	sadd.s32 s21, s2  }
0x9d: {  	[timem:s6], [sflag:s22] =	dma.local [hbm:s4], s20  }
0x9e: {  	_ =	swait.ge [sflag:s22], s20  }
0x9f: {  	s3 =	ssub.s32 $0x0, s20;
	[sflag:s22] =	ssyncset.done $0x0  }
0xa0: {  	[sflag:s22] =	ssyncadd.s32 s3;
	_ =	sdelay $0x1  }
0xa1: {  	s23 =	simm.s32 $0x1B8B  }
0xa2: {  	_ =	swait.ge [sflag:s23], $0x1  }
0xa3: {  	[sflag:s23] =	ssyncset.done $0x0  }
0xa4: {  	s25 =	simm.s32 $0x1B8E;
	s24 =	sld [smem:$0x3FFE];
	[sflag:s23] =	ssyncadd.s32 $0xFFFFFFFF  }
0xa5: {  	s26 =	simm.s32 $execute0_lowered;
	[smem:$0x3FD2] =	sst s25  }
0xa6: {  	s4 =	sshll.u32 s26, $0x1;
	_ =	strace $0x80000046;
	[dreg:$0x1] =	wrdreg $0xFFFFFFFF  }
0xa7: {  	s28 =	simm.s32 $_size_execute0_lowered;
	s2 =	sadd.s32 s2, s4;
	[dreg:$0x0] =	wrdreg $0x0  }
0xa8: {  	s4 =	sshll.u32 s28, $0x1;
	[dreg:$0x2] =	wrdreg s2  }
0xa9: {  	[dreg:$0x3] =	wrdreg s4  }
0xaa: {  	[dreg:$0x4] =	wrdreg $0xC0  }
0xab: {  	_ =	task [dreg:s6], $0x5FFFF  }
0xac: {  	[dreg:$0x1] =	wrdreg $0xFFFFFFFF  }
0xad: {  	[dreg:$0x0] =	wrdreg $0x60  }
0xae: {  	[dreg:$0x2] =	wrdreg s24  }
0xaf: {  	[dreg:$0x3] =	wrdreg $0x9  }
0xb0: {  	_ =	task.clear_ibuf [dreg:s6], $0x4FFFF;
	_ =	strace $0x90000046  }
0xb1: {  	s29 =	simm.s32 $0x9;
	_ =	strace $0x80000048  }
0xb2: {  	_ =	swait.ge [sflag:s29], $0x1  }
0xb3: {  	[sflag:s29] =	ssyncadd.s32 $0xFFFFFFFF  }
0xb4: {  	_ =	strace $0x90000048  }
0xb5: {  	_ =	sfence  }
0xb6: {  	s30 =	sld [smem:$0x0];
	_ =	sdelay $0x2  }
0xb7: {  	s31 =	sshll.u32 s1, $0xD;
	s1 =	sshrl.u32 s1, $0x2  }
0xb8: {  	s3 =	sand.u32 $0x4000, s31;
	s1 =	sadd.s32 s1, s30  }
0xb9: {  	s0 =	sor.u32 s3, s0;
	s1 =	sshll.u32 s1, $0x11  }
0xba: {  	s0 =	sor.u32 s1, s0  }
0xbb: {  	s0 =	sadd.s32 $0x8F2B, s0  }
0xbc: {  	[sflag:s0] =	ssyncadd.remote.s32 $0x1  }
0xbd: {  	_ =	sfence.sel $0xFFFF  }
0xbe: {  	[dreg:$0x0] =	wrdreg $0xFFFFFFFF;
	(pc) =	sbr.abs _section_cstart, $3  }
0xbf: {  	[dreg:$0x1] =	wrdreg $0xFFFFFFFF  }
0xc0: {  	_ =	task.clear_ibuf [dreg:s6], $0x2FFFF;
	_ =	strace $0x9FFFFFFF  }
0xc1: {  	(tm) =	ssettm $0x7FFFFFFF  }
tec
execute0_lowered:
.L_overlay_start_1:
0x0: {  	(tag) =	ssettag $0x1  }
0x1: {  	s5 =	rddreg [dreg:$0x0]  }
0x2: {  	s0 =	rddreg [dreg:$0x1];
	s1 =	simm.s32 $0x0  }
0x3: {  	s2 =	srdreg.scid;
	s9 =	simm.s32 $0x10000;
	s10 =	simm.s32 $0x0  }
0x4: {  	[smem:$0x7FF] =	sst s1;
	s3 =	sand.u32 $0x1, s2;
	s2 =	stileid.u32  }
0x5: {  	v0 =	vlaneseq.u32;
	_ =	strace $0x80000047;
	s4 =	ssub.s32 $0x2, s3;
	s7 =	sshll.u32 s2, $0xC  }
0x6: {  	v4 =	vmul.u32 $0xFFFFFFFF, v0;
	s8 =	sshll.u32 s3, $0xB;
	s3 =	sadd.s32 $0x200400, s5;
	s6 =	sshrl.u32 s4, $0x1  }
0x7: {  	v5 =	vimm.s32 $0x0;
	v1 =	vor.u32 $0x10, v0;
	v2 =	vor.u32 $0x20, v0;
	s5 =	sadd.s32 $0x400, s5;
	s6 =	ssub.s32 s4, s6;
	s4 =	sor.u32 s8, s7  }
0x8: {  	v3 =	vor.u32 $0x30, v0;
	v6 =	vadd.s32 $0xFFFFFFFF, v0;
	v4 =	vadd.s32 $0xF, v4;
	s8 =	simm.s32 $0x1;
	s6 =	smax.u32 s6, $0x1;
	s7 =	sshrl.u32 s4, $0x9  }
.LBB2_1:
0x9: {  	s11 =	smov.u32 s7;
	s12 =	smov.u32 s4;
	s13 =	simm.s32 $0x0  }
.LBB2_2:
0xa: {  	s14 =	sshll.u32 s13, $0x9  }
0xb: {  	s14 =	sadd.s32 s4, s14  }
0xc: {  	s14 =	sshll.u32 s14, $0x4  }
0xd: {  	s15 =	simm.s32 $0x0;
	s16 =	sadd.s32 s3, s14  }
0xe: {  	[tilespmem:s15], [sflag:$0x1] =	stream.linear.gather [hbm4b:s16+s15], $0x10000, $0x38;
	v63 =	vld [tilespmem:$0x0]  }
0xf: {  	_ =	swait.ge [sflag:s8], $0x10000  }
0x10: {  	s31 =	sand.u32 $0x7, s11;
	s17 =	simm.s32 $0x200;
	[sflag:s8] =	ssyncset.done $0x0  }
0x11: {  	s18 =	simm.s32 $0x10200;
	s16 =	sshll.u32 s31, $0x9;
	[sflag:s8] =	ssyncadd.s32 $0xFFFF0000  }
.LBB2_3:
0x12: {  	v7 =	vld [tilespmem:s17+$0xFFFFFE00]  }
0x13: {  	v8 =	vld [tilespmem:s17+$0xFFFFFE10]  }
0x14: {  	v9 =	vld [tilespmem:s17+$0xFFFFFE20]  }
0x15: {  	v10 =	vld [tilespmem:s17+$0xFFFFFE30];
	_ =	sdelay $0x1  }
0x16: {  	(xrf1) =	vsort.dscd.msk.f32 $0xffff, v7, v0  }
0x17: {  	(xrf1) =	vsort.dscd.msk.f32 $0xffff, v8, v1  }
0x18: {  	(xrf1) =	vsort.dscd.msk.f32 $0xffff, v9, v2  }
0x19: {  	(xrf1) =	vsort.dscd.msk.f32 $0xffff, v10, v3;
	_ =	sdelay $0xa  }
0x1a: {  	v7, v8, _ =	vpop (xrf1)  }
0x1b: {  	v61, v62, _ =	vpop (xrf1)  }
0x1c: {  	v11, v12, _ =	vpop (xrf1)  }
0x1d: {  	v9 =	vperm.xlane v61, v4;
	v13, v14, _ =	vpop (xrf1)  }
0x1e: {  	v10 =	vperm.xlane v62, v4;
	v13 =	vperm.xlane v13, v4  }
0x1f: {  	vm0 =	vge.f32 v7, v9;
	v14 =	vperm.xlane v14, v4  }
0x20: {  	v7 =	vsel vm0, v7, v9;
	v8 =	vsel vm0, v8, v10;
	vm6 =	vge.f32 v11, v13  }
0x21: {  	(xrf1) =	vsort.dscd.msk.f32 $0xffff, v7, v8;
	v7 =	vsel vm6, v11, v13;
	v8 =	vsel vm6, v12, v14  }
0x22: {  	(xrf1) =	vsort.dscd.msk.f32 $0xffff, v7, v8;
	_ =	sdelay $0xc  }
0x23: {  	v7, v8, _ =	vpop (xrf1)  }
0x24: {  	v14, v15, _ =	vpop (xrf1)  }
0x25: {  	v9 =	vperm.xlane v14, v4  }
0x26: {  	v10 =	vperm.xlane v15, v4  }
0x27: {  	vm7 =	vge.f32 v7, v9  }
0x28: {  	v7 =	vsel vm7, v7, v9;
	v8 =	vsel vm7, v8, v10  }
0x29: {  	(xrf1) =	vsort.dscd.msk.f32 $0xffff, v7, v8;
	_ =	sdelay $0xd  }
0x2a: {  	_, v7, _ =	vpop (xrf1)  }
0x2b: {  	v8 =	vxor.u32 $0x80000000, v7  }
0x2c: {  	(xrf1) =	vsort.ascd.msk.u32 $0xffff, v8, v7;
	_ =	sdelay $0x7  }
0x2d: {  	s19 =	sadd.s32 s15, s16;
	s20 =	sand.u32 $0x38, s15  }
0x2e: {  	p0 =	seq.s32 s19, $0x0;
	p1 =	sne.s32 s20, $0x0  }
0x2f: {  	p0 =	por !p0, !p1  }
0x30: {  	s20 =	simm.s32 $0x1;
	p0 =	por !p0, !p0  }
0x31: {  	s19 =	sshrl.u32 s19, $0x6;
	s20 =	simm.s32 @!p0 $0x0  }
0x32: {  	s19 =	ssub.s32 s19, s20  }
0x33: {  	p0 =	sgt.s32 s19, $0x1;
	s20 =	smov.u32 s19;
	v7, _, _ =	vpop (xrf1)  }
0x34: {  	s20 =	simm.s32 @!p0 $0x1;
	v7 =	vxor.u32 $0x80000000, v7  }
0x35: {  	s20 =	sadd.s32 $0xFFFFFFFF, s20;
	vm8 =	vlt.s32 v7, s19  }
0x36: {  	vm1 =	vlt.s32 v7, s20;
	v8 =	vmpcnt.ones.xlane vm8  }
0x37: {  	v16 =	vmpcnt.ones.xlane vm1  }
0x38: {  	v8 =	vadd.s32 $0x1, v8  }
0x39: {  	vm9 =	vlt.s32 v16, v0;
	vm10 =	vlt.s32 v8, v0  }
0x3a: {  	v18 =	vsel vm9, v6, v0;
	v17 =	vsel vm10, $0xFFFFFFFF, v5  }
0x3b: {  	v10 =	vadd.s32 v17, v18  }
0x3c: {  	v7 =	vperm.xlane v7, v10  }
0x3d: {  	vm11 =	veq.s32 v8, v0  }
0x3e: {  	vm12 =	veq.s32 v16, v0;
	v7 =	vsel vm11, s19, v7  }
0x3f: {  	v7 =	vsel vm12, s20, v7  }
0x40: {  	[tilespmem:s18+$0xFFFFFE00] =	vst v7  }
0x41: {  	v7 =	vld [tilespmem:s17+$0xFFFFFE80]  }
0x42: {  	v8 =	vld [tilespmem:s17+$0xFFFFFE90]  }
0x43: {  	v19 =	vld [tilespmem:s17+$0xFFFFFEA0]  }
0x44: {  	v20 =	vld [tilespmem:s17+$0xFFFFFEB0];
	_ =	sdelay $0x1  }
0x45: {  	(xrf1) =	vsort.dscd.msk.f32 $0xffff, v7, v0  }
0x46: {  	(xrf1) =	vsort.dscd.msk.f32 $0xffff, v8, v1  }
0x47: {  	(xrf1) =	vsort.dscd.msk.f32 $0xffff, v19, v2  }
0x48: {  	(xrf1) =	vsort.dscd.msk.f32 $0xffff, v20, v3;
	_ =	sdelay $0xa  }
0x49: {  	v7, v8, _ =	vpop (xrf1)  }
0x4a: {  	v21, v22, _ =	vpop (xrf1)  }
0x4b: {  	v24, v23, _ =	vpop (xrf1)  }
0x4c: {  	v9 =	vperm.xlane v21, v4;
	v25, v26, _ =	vpop (xrf1)  }
0x4d: {  	v10 =	vperm.xlane v22, v4;
	v13 =	vperm.xlane v25, v4  }
0x4e: {  	vm13 =	vge.f32 v7, v9;
	v14 =	vperm.xlane v26, v4  }
0x4f: {  	v7 =	vsel vm13, v7, v9;
	v8 =	vsel vm13, v8, v10;
	vm14 =	vge.f32 v24, v13  }
0x50: {  	(xrf1) =	vsort.dscd.msk.f32 $0xffff, v7, v8;
	v7 =	vsel vm14, v24, v13;
	v8 =	vsel vm14, v23, v14  }
0x51: {  	(xrf1) =	vsort.dscd.msk.f32 $0xffff, v7, v8;
	_ =	sdelay $0xc  }
0x52: {  	v7, v8, _ =	vpop (xrf1)  }
0x53: {  	v27, v28, _ =	vpop (xrf1)  }
0x54: {  	v9 =	vperm.xlane v27, v4  }
0x55: {  	v10 =	vperm.xlane v28, v4  }
0x56: {  	vm15 =	vge.f32 v7, v9  }
0x57: {  	v7 =	vsel vm15, v7, v9;
	v8 =	vsel vm15, v8, v10  }
0x58: {  	(xrf1) =	vsort.dscd.msk.f32 $0xffff, v7, v8;
	_ =	sdelay $0xd  }
0x59: {  	_, v7, _ =	vpop (xrf1)  }
0x5a: {  	v8 =	vxor.u32 $0x80000000, v7  }
0x5b: {  	(xrf1) =	vsort.ascd.msk.u32 $0xffff, v8, v7;
	_ =	sdelay $0xb  }
0x5c: {  	s29 =	sadd.s32 s15, s12  }
0x5d: {  	s19 =	sshrl.u32 s29, $0x6  }
0x5e: {  	s19 =	sand.u32 $0x3F, s19;
	v7, _, _ =	vpop (xrf1)  }
0x5f: {  	s30 =	smax.u32 s19, $0x1;
	v7 =	vxor.u32 $0x80000000, v7  }
0x60: {  	s20 =	sadd.s32 $0xFFFFFFFF, s30;
	vm4 =	vlt.s32 v7, s19  }
0x61: {  	vm5 =	vlt.s32 v7, s20;
	v8 =	vmpcnt.ones.xlane vm4  }
0x62: {  	v29 =	vmpcnt.ones.xlane vm5  }
0x63: {  	v8 =	vadd.s32 $0x1, v8  }
0x64: {  	vm6 =	vlt.s32 v29, v0;
	vm7 =	vlt.s32 v8, v0  }
0x65: {  	v31 =	vsel vm6, v6, v0;
	v30 =	vsel vm7, $0xFFFFFFFF, v5  }
0x66: {  	v10 =	vadd.s32 v30, v31  }
0x67: {  	v7 =	vperm.xlane v7, v10  }
0x68: {  	vm8 =	veq.s32 v8, v0  }
0x69: {  	vm9 =	veq.s32 v29, v0;
	v7 =	vsel vm8, s19, v7  }
0x6a: {  	v7 =	vsel vm9, s20, v7  }
0x6b: {  	[tilespmem:s18+$0xFFFFFE80] =	vst v7  }
0x6c: {  	v7 =	vld [tilespmem:s17+$0xFFFFFF00]  }
0x6d: {  	v8 =	vld [tilespmem:s17+$0xFFFFFF10]  }
0x6e: {  	v32 =	vld [tilespmem:s17+$0xFFFFFF20]  }
0x6f: {  	v33 =	vld [tilespmem:s17+$0xFFFFFF30];
	_ =	sdelay $0x1  }
0x70: {  	(xrf1) =	vsort.dscd.msk.f32 $0xffff, v7, v0  }
0x71: {  	(xrf1) =	vsort.dscd.msk.f32 $0xffff, v8, v1  }
0x72: {  	(xrf1) =	vsort.dscd.msk.f32 $0xffff, v32, v2  }
0x73: {  	(xrf1) =	vsort.dscd.msk.f32 $0xffff, v33, v3;
	_ =	sdelay $0xa  }
0x74: {  	v7, v8, _ =	vpop (xrf1)  }
0x75: {  	v34, v35, _ =	vpop (xrf1)  }
0x76: {  	v37, v36, _ =	vpop (xrf1)  }
0x77: {  	v9 =	vperm.xlane v34, v4;
	v38, v39, _ =	vpop (xrf1)  }
0x78: {  	v10 =	vperm.xlane v35, v4;
	v13 =	vperm.xlane v38, v4  }
0x79: {  	vm10 =	vge.f32 v7, v9;
	v14 =	vperm.xlane v39, v4  }
0x7a: {  	v7 =	vsel vm10, v7, v9;
	v8 =	vsel vm10, v8, v10;
	vm11 =	vge.f32 v37, v13  }
0x7b: {  	(xrf1) =	vsort.dscd.msk.f32 $0xffff, v7, v8;
	v7 =	vsel vm11, v37, v13;
	v8 =	vsel vm11, v36, v14  }
0x7c: {  	(xrf1) =	vsort.dscd.msk.f32 $0xffff, v7, v8;
	_ =	sdelay $0xc  }
0x7d: {  	v7, v8, _ =	vpop (xrf1)  }
0x7e: {  	v40, v41, _ =	vpop (xrf1)  }
0x7f: {  	v9 =	vperm.xlane v40, v4  }
0x80: {  	v10 =	vperm.xlane v41, v4  }
0x81: {  	vm12 =	vge.f32 v7, v9  }
0x82: {  	v7 =	vsel vm12, v7, v9;
	v8 =	vsel vm12, v8, v10  }
0x83: {  	(xrf1) =	vsort.dscd.msk.f32 $0xffff, v7, v8;
	_ =	sdelay $0xd  }
0x84: {  	_, v7, _ =	vpop (xrf1)  }
0x85: {  	v8 =	vxor.u32 $0x80000000, v7  }
0x86: {  	(xrf1) =	vsort.ascd.msk.u32 $0xffff, v8, v7;
	_ =	sdelay $0xd  }
0x87: {  	v7, _, _ =	vpop (xrf1)  }
0x88: {  	v7 =	vxor.u32 $0x80000000, v7  }
0x89: {  	vm13 =	vlt.s32 v7, s19  }
0x8a: {  	vm14 =	vlt.s32 v7, s20;
	v8 =	vmpcnt.ones.xlane vm13  }
0x8b: {  	v42 =	vmpcnt.ones.xlane vm14  }
0x8c: {  	v8 =	vadd.s32 $0x1, v8  }
0x8d: {  	vm15 =	vlt.s32 v42, v0;
	vm4 =	vlt.s32 v8, v0  }
0x8e: {  	v44 =	vsel vm15, v6, v0;
	v43 =	vsel vm4, $0xFFFFFFFF, v5  }
0x8f: {  	v10 =	vadd.s32 v43, v44  }
0x90: {  	v7 =	vperm.xlane v7, v10  }
0x91: {  	vm5 =	veq.s32 v8, v0  }
0x92: {  	vm6 =	veq.s32 v42, v0;
	v7 =	vsel vm5, s19, v7  }
0x93: {  	v7 =	vsel vm6, s20, v7  }
0x94: {  	[tilespmem:s18+$0xFFFFFF00] =	vst v7  }
0x95: {  	v7 =	vld [tilespmem:s17+$0xFFFFFF80]  }
0x96: {  	v8 =	vld [tilespmem:s17+$0xFFFFFF90]  }
0x97: {  	v45 =	vld [tilespmem:s17+$0xFFFFFFA0]  }
0x98: {  	v46 =	vld [tilespmem:s17+$0xFFFFFFB0];
	_ =	sdelay $0x1  }
0x99: {  	(xrf1) =	vsort.dscd.msk.f32 $0xffff, v7, v0  }
0x9a: {  	(xrf1) =	vsort.dscd.msk.f32 $0xffff, v8, v1  }
0x9b: {  	(xrf1) =	vsort.dscd.msk.f32 $0xffff, v45, v2  }
0x9c: {  	(xrf1) =	vsort.dscd.msk.f32 $0xffff, v46, v3;
	_ =	sdelay $0xa  }
0x9d: {  	v7, v8, _ =	vpop (xrf1)  }
0x9e: {  	v47, v48, _ =	vpop (xrf1)  }
0x9f: {  	v50, v49, _ =	vpop (xrf1)  }
0xa0: {  	v9 =	vperm.xlane v47, v4;
	v51, v52, _ =	vpop (xrf1)  }
0xa1: {  	v10 =	vperm.xlane v48, v4;
	v13 =	vperm.xlane v51, v4  }
0xa2: {  	vm7 =	vge.f32 v7, v9;
	v14 =	vperm.xlane v52, v4  }
0xa3: {  	v7 =	vsel vm7, v7, v9;
	v8 =	vsel vm7, v8, v10;
	vm8 =	vge.f32 v50, v13  }
0xa4: {  	(xrf1) =	vsort.dscd.msk.f32 $0xffff, v7, v8;
	v7 =	vsel vm8, v50, v13;
	v8 =	vsel vm8, v49, v14  }
0xa5: {  	(xrf1) =	vsort.dscd.msk.f32 $0xffff, v7, v8;
	_ =	sdelay $0xc  }
0xa6: {  	v7, v8, _ =	vpop (xrf1)  }
0xa7: {  	v53, v54, _ =	vpop (xrf1)  }
0xa8: {  	v9 =	vperm.xlane v53, v4  }
0xa9: {  	v10 =	vperm.xlane v54, v4  }
0xaa: {  	vm9 =	vge.f32 v7, v9  }
0xab: {  	v7 =	vsel vm9, v7, v9;
	v8 =	vsel vm9, v8, v10  }
0xac: {  	(xrf1) =	vsort.dscd.msk.f32 $0xffff, v7, v8;
	_ =	sdelay $0xd  }
0xad: {  	_, v7, _ =	vpop (xrf1)  }
0xae: {  	v8 =	vxor.u32 $0x80000000, v7  }
0xaf: {  	(xrf1) =	vsort.ascd.msk.u32 $0xffff, v8, v7;
	_ =	sdelay $0xd  }
0xb0: {  	v7, _, _ =	vpop (xrf1)  }
0xb1: {  	v7 =	vxor.u32 $0x80000000, v7  }
0xb2: {  	vm10 =	vlt.s32 v7, s19  }
0xb3: {  	vm11 =	vlt.s32 v7, s20;
	v8 =	vmpcnt.ones.xlane vm10  }
0xb4: {  	v55 =	vmpcnt.ones.xlane vm11  }
0xb5: {  	v8 =	vadd.s32 $0x1, v8  }
0xb6: {  	vm12 =	vlt.s32 v55, v0;
	vm13 =	vlt.s32 v8, v0  }
0xb7: {  	v57 =	vsel vm12, v6, v0;
	v56 =	vsel vm13, $0xFFFFFFFF, v5  }
0xb8: {  	v10 =	vadd.s32 v56, v57  }
0xb9: {  	v7 =	vperm.xlane v7, v10  }
0xba: {  	vm14 =	veq.s32 v8, v0  }
0xbb: {  	vm15 =	veq.s32 v55, v0;
	v7 =	vsel vm14, s19, v7  }
0xbc: {  	v7 =	vsel vm15, s20, v7  }
0xbd: {  	[tilespmem:s18+$0xFFFFFF80] =	vst v7  }
0xbe: {  	v7 =	vld [tilespmem:s17+$0x0]  }
0xbf: {  	v8 =	vld [tilespmem:s17+$0x10]  }
0xc0: {  	v58 =	vld [tilespmem:s17+$0x20]  }
0xc1: {  	v59 =	vld [tilespmem:s17+$0x30];
	_ =	sdelay $0x1  }
0xc2: {  	(xrf1) =	vsort.dscd.msk.f32 $0xffff, v7, v0  }
0xc3: {  	(xrf1) =	vsort.dscd.msk.f32 $0xffff, v8, v1  }
0xc4: {  	(xrf1) =	vsort.dscd.msk.f32 $0xffff, v58, v2  }
0xc5: {  	(xrf1) =	vsort.dscd.msk.f32 $0xffff, v59, v3;
	_ =	sdelay $0xa  }
0xc6: {  	v7, v8, _ =	vpop (xrf1)  }
0xc7: {  	v60, v61, _ =	vpop (xrf1)  }
0xc8: {  	v16, v62, _ =	vpop (xrf1)  }
0xc9: {  	v9 =	vperm.xlane v60, v4;
	v17, v18, _ =	vpop (xrf1)  }
0xca: {  	v10 =	vperm.xlane v61, v4;
	v13 =	vperm.xlane v17, v4  }
0xcb: {  	vm4 =	vge.f32 v7, v9;
	v14 =	vperm.xlane v18, v4  }
0xcc: {  	v7 =	vsel vm4, v7, v9;
	v8 =	vsel vm4, v8, v10;
	vm5 =	vge.f32 v16, v13  }
0xcd: {  	(xrf1) =	vsort.dscd.msk.f32 $0xffff, v7, v8;
	v7 =	vsel vm5, v16, v13;
	v8 =	vsel vm5, v62, v14  }
0xce: {  	(xrf1) =	vsort.dscd.msk.f32 $0xffff, v7, v8;
	_ =	sdelay $0xc  }
0xcf: {  	v7, v8, _ =	vpop (xrf1)  }
0xd0: {  	v19, v20, _ =	vpop (xrf1)  }
0xd1: {  	v9 =	vperm.xlane v19, v4  }
0xd2: {  	v10 =	vperm.xlane v20, v4  }
0xd3: {  	vm6 =	vge.f32 v7, v9  }
0xd4: {  	v7 =	vsel vm6, v7, v9;
	v8 =	vsel vm6, v8, v10  }
0xd5: {  	(xrf1) =	vsort.dscd.msk.f32 $0xffff, v7, v8;
	_ =	sdelay $0xd  }
0xd6: {  	_, v7, _ =	vpop (xrf1)  }
0xd7: {  	v8 =	vxor.u32 $0x80000000, v7  }
0xd8: {  	(xrf1) =	vsort.ascd.msk.u32 $0xffff, v8, v7;
	_ =	sdelay $0xd  }
0xd9: {  	v7, _, _ =	vpop (xrf1)  }
0xda: {  	v7 =	vxor.u32 $0x80000000, v7  }
0xdb: {  	vm7 =	vlt.s32 v7, s19  }
0xdc: {  	vm8 =	vlt.s32 v7, s20;
	v8 =	vmpcnt.ones.xlane vm7  }
0xdd: {  	v21 =	vmpcnt.ones.xlane vm8  }
0xde: {  	v8 =	vadd.s32 $0x1, v8  }
0xdf: {  	vm9 =	vlt.s32 v21, v0;
	vm10 =	vlt.s32 v8, v0  }
0xe0: {  	v23 =	vsel vm9, v6, v0;
	v22 =	vsel vm10, $0xFFFFFFFF, v5  }
0xe1: {  	v10 =	vadd.s32 v22, v23  }
0xe2: {  	v7 =	vperm.xlane v7, v10  }
0xe3: {  	vm11 =	veq.s32 v8, v0  }
0xe4: {  	vm12 =	veq.s32 v21, v0;
	v7 =	vsel vm11, s19, v7  }
0xe5: {  	v7 =	vsel vm12, s20, v7  }
0xe6: {  	[tilespmem:s18+$0x0] =	vst v7  }
0xe7: {  	v7 =	vld [tilespmem:s17+$0x80]  }
0xe8: {  	v8 =	vld [tilespmem:s17+$0x90]  }
0xe9: {  	v24 =	vld [tilespmem:s17+$0xA0]  }
0xea: {  	v25 =	vld [tilespmem:s17+$0xB0];
	_ =	sdelay $0x1  }
0xeb: {  	(xrf1) =	vsort.dscd.msk.f32 $0xffff, v7, v0  }
0xec: {  	(xrf1) =	vsort.dscd.msk.f32 $0xffff, v8, v1  }
0xed: {  	(xrf1) =	vsort.dscd.msk.f32 $0xffff, v24, v2  }
0xee: {  	(xrf1) =	vsort.dscd.msk.f32 $0xffff, v25, v3;
	_ =	sdelay $0xa  }
0xef: {  	v7, v8, _ =	vpop (xrf1)  }
0xf0: {  	v26, v27, _ =	vpop (xrf1)  }
0xf1: {  	v29, v28, _ =	vpop (xrf1)  }
0xf2: {  	v9 =	vperm.xlane v26, v4;
	v30, v31, _ =	vpop (xrf1)  }
0xf3: {  	v10 =	vperm.xlane v27, v4;
	v13 =	vperm.xlane v30, v4  }
0xf4: {  	vm13 =	vge.f32 v7, v9;
	v14 =	vperm.xlane v31, v4  }
0xf5: {  	v7 =	vsel vm13, v7, v9;
	v8 =	vsel vm13, v8, v10;
	vm14 =	vge.f32 v29, v13  }
0xf6: {  	(xrf1) =	vsort.dscd.msk.f32 $0xffff, v7, v8;
	v7 =	vsel vm14, v29, v13;
	v8 =	vsel vm14, v28, v14  }
0xf7: {  	(xrf1) =	vsort.dscd.msk.f32 $0xffff, v7, v8;
	_ =	sdelay $0xc  }
0xf8: {  	v7, v8, _ =	vpop (xrf1)  }
0xf9: {  	v32, v33, _ =	vpop (xrf1)  }
0xfa: {  	v9 =	vperm.xlane v32, v4  }
0xfb: {  	v10 =	vperm.xlane v33, v4  }
0xfc: {  	vm15 =	vge.f32 v7, v9  }
0xfd: {  	v7 =	vsel vm15, v7, v9;
	v8 =	vsel vm15, v8, v10  }
0xfe: {  	(xrf1) =	vsort.dscd.msk.f32 $0xffff, v7, v8;
	_ =	sdelay $0xd  }
0xff: {  	_, v7, _ =	vpop (xrf1)  }
0x100: {  	v8 =	vxor.u32 $0x80000000, v7  }
0x101: {  	(xrf1) =	vsort.ascd.msk.u32 $0xffff, v8, v7;
	_ =	sdelay $0xd  }
0x102: {  	v7, _, _ =	vpop (xrf1)  }
0x103: {  	v7 =	vxor.u32 $0x80000000, v7  }
0x104: {  	vm4 =	vlt.s32 v7, s19  }
0x105: {  	vm5 =	vlt.s32 v7, s20;
	v8 =	vmpcnt.ones.xlane vm4  }
0x106: {  	v34 =	vmpcnt.ones.xlane vm5  }
0x107: {  	v8 =	vadd.s32 $0x1, v8  }
0x108: {  	vm6 =	vlt.s32 v34, v0;
	vm7 =	vlt.s32 v8, v0  }
0x109: {  	v36 =	vsel vm6, v6, v0;
	v35 =	vsel vm7, $0xFFFFFFFF, v5  }
0x10a: {  	v10 =	vadd.s32 v35, v36  }
0x10b: {  	v7 =	vperm.xlane v7, v10  }
0x10c: {  	vm8 =	veq.s32 v8, v0  }
0x10d: {  	vm9 =	veq.s32 v34, v0;
	v7 =	vsel vm8, s19, v7  }
0x10e: {  	v7 =	vsel vm9, s20, v7  }
0x10f: {  	[tilespmem:s18+$0x80] =	vst v7  }
0x110: {  	v7 =	vld [tilespmem:s17+$0x100]  }
0x111: {  	v8 =	vld [tilespmem:s17+$0x110]  }
0x112: {  	v37 =	vld [tilespmem:s17+$0x120]  }
0x113: {  	v38 =	vld [tilespmem:s17+$0x130];
	_ =	sdelay $0x1  }
0x114: {  	(xrf1) =	vsort.dscd.msk.f32 $0xffff, v7, v0  }
0x115: {  	(xrf1) =	vsort.dscd.msk.f32 $0xffff, v8, v1  }
0x116: {  	(xrf1) =	vsort.dscd.msk.f32 $0xffff, v37, v2  }
0x117: {  	(xrf1) =	vsort.dscd.msk.f32 $0xffff, v38, v3;
	_ =	sdelay $0xa  }
0x118: {  	v7, v8, _ =	vpop (xrf1)  }
0x119: {  	v39, v40, _ =	vpop (xrf1)  }
0x11a: {  	v42, v41, _ =	vpop (xrf1)  }
0x11b: {  	v9 =	vperm.xlane v39, v4;
	v43, v44, _ =	vpop (xrf1)  }
0x11c: {  	v10 =	vperm.xlane v40, v4;
	v13 =	vperm.xlane v43, v4  }
0x11d: {  	vm10 =	vge.f32 v7, v9;
	v14 =	vperm.xlane v44, v4  }
0x11e: {  	v7 =	vsel vm10, v7, v9;
	v8 =	vsel vm10, v8, v10;
	vm11 =	vge.f32 v42, v13  }
0x11f: {  	(xrf1) =	vsort.dscd.msk.f32 $0xffff, v7, v8;
	v7 =	vsel vm11, v42, v13;
	v8 =	vsel vm11, v41, v14  }
0x120: {  	(xrf1) =	vsort.dscd.msk.f32 $0xffff, v7, v8;
	_ =	sdelay $0xc  }
0x121: {  	v7, v8, _ =	vpop (xrf1)  }
0x122: {  	v45, v46, _ =	vpop (xrf1)  }
0x123: {  	v9 =	vperm.xlane v45, v4  }
0x124: {  	v10 =	vperm.xlane v46, v4  }
0x125: {  	vm12 =	vge.f32 v7, v9  }
0x126: {  	v7 =	vsel vm12, v7, v9;
	v8 =	vsel vm12, v8, v10  }
0x127: {  	(xrf1) =	vsort.dscd.msk.f32 $0xffff, v7, v8;
	_ =	sdelay $0xd  }
0x128: {  	_, v7, _ =	vpop (xrf1)  }
0x129: {  	v8 =	vxor.u32 $0x80000000, v7  }
0x12a: {  	(xrf1) =	vsort.ascd.msk.u32 $0xffff, v8, v7;
	_ =	sdelay $0xd  }
0x12b: {  	v7, _, _ =	vpop (xrf1)  }
0x12c: {  	v7 =	vxor.u32 $0x80000000, v7  }
0x12d: {  	vm13 =	vlt.s32 v7, s19  }
0x12e: {  	vm14 =	vlt.s32 v7, s20;
	v8 =	vmpcnt.ones.xlane vm13  }
0x12f: {  	v47 =	vmpcnt.ones.xlane vm14  }
0x130: {  	v8 =	vadd.s32 $0x1, v8  }
0x131: {  	vm15 =	vlt.s32 v47, v0;
	vm4 =	vlt.s32 v8, v0  }
0x132: {  	v49 =	vsel vm15, v6, v0;
	v48 =	vsel vm4, $0xFFFFFFFF, v5  }
0x133: {  	v10 =	vadd.s32 v48, v49  }
0x134: {  	v7 =	vperm.xlane v7, v10  }
0x135: {  	vm5 =	veq.s32 v8, v0  }
0x136: {  	vm6 =	veq.s32 v47, v0;
	v7 =	vsel vm5, s19, v7  }
0x137: {  	v7 =	vsel vm6, s20, v7  }
0x138: {  	[tilespmem:s18+$0x100] =	vst v7  }
0x139: {  	v7 =	vld [tilespmem:s17+$0x180]  }
0x13a: {  	v8 =	vld [tilespmem:s17+$0x190]  }
0x13b: {  	v50 =	vld [tilespmem:s17+$0x1A0]  }
0x13c: {  	v51 =	vld [tilespmem:s17+$0x1B0];
	_ =	sdelay $0x1  }
0x13d: {  	(xrf1) =	vsort.dscd.msk.f32 $0xffff, v7, v0  }
0x13e: {  	(xrf1) =	vsort.dscd.msk.f32 $0xffff, v8, v1  }
0x13f: {  	(xrf1) =	vsort.dscd.msk.f32 $0xffff, v50, v2  }
0x140: {  	(xrf1) =	vsort.dscd.msk.f32 $0xffff, v51, v3;
	_ =	sdelay $0xa  }
0x141: {  	v7, v8, _ =	vpop (xrf1)  }
0x142: {  	v52, v53, _ =	vpop (xrf1)  }
0x143: {  	v55, v54, _ =	vpop (xrf1)  }
0x144: {  	v9 =	vperm.xlane v52, v4;
	v56, v57, _ =	vpop (xrf1)  }
0x145: {  	v10 =	vperm.xlane v53, v4;
	v13 =	vperm.xlane v56, v4  }
0x146: {  	vm7 =	vge.f32 v7, v9;
	v14 =	vperm.xlane v57, v4  }
0x147: {  	v7 =	vsel vm7, v7, v9;
	v8 =	vsel vm7, v8, v10;
	vm8 =	vge.f32 v55, v13  }
0x148: {  	(xrf1) =	vsort.dscd.msk.f32 $0xffff, v7, v8;
	v7 =	vsel vm8, v55, v13;
	v8 =	vsel vm8, v54, v14  }
0x149: {  	(xrf1) =	vsort.dscd.msk.f32 $0xffff, v7, v8;
	_ =	sdelay $0xc  }
0x14a: {  	v7, v8, _ =	vpop (xrf1)  }
0x14b: {  	v58, v59, _ =	vpop (xrf1)  }
0x14c: {  	v9 =	vperm.xlane v58, v4  }
0x14d: {  	v10 =	vperm.xlane v59, v4  }
0x14e: {  	vm9 =	vge.f32 v7, v9  }
0x14f: {  	v7 =	vsel vm9, v7, v9;
	v8 =	vsel vm9, v8, v10  }
0x150: {  	(xrf1) =	vsort.dscd.msk.f32 $0xffff, v7, v8;
	_ =	sdelay $0xd  }
0x151: {  	_, v7, _ =	vpop (xrf1)  }
0x152: {  	v8 =	vxor.u32 $0x80000000, v7  }
0x153: {  	(xrf1) =	vsort.ascd.msk.u32 $0xffff, v8, v7;
	_ =	sdelay $0xd  }
0x154: {  	v7, _, _ =	vpop (xrf1)  }
0x155: {  	v7 =	vxor.u32 $0x80000000, v7  }
0x156: {  	vm10 =	vlt.s32 v7, s19  }
0x157: {  	vm11 =	vlt.s32 v7, s20;
	v8 =	vmpcnt.ones.xlane vm10  }
0x158: {  	v60 =	vmpcnt.ones.xlane vm11  }
0x159: {  	v8 =	vadd.s32 $0x1, v8  }
0x15a: {  	vm12 =	vlt.s32 v60, v0;
	vm13 =	vlt.s32 v8, v0  }
0x15b: {  	v62 =	vsel vm12, v6, v0;
	v61 =	vsel vm13, $0xFFFFFFFF, v5  }
0x15c: {  	p0 =	slt.u32 s15, $0x1F8;
	v10 =	vadd.s32 v61, v62  }
.Ltmp0:
0x15d: {  	v7 =	vperm.xlane v7, v10;
	(pc) =	sbr.rel @p0 .LBB2_3-.Ltmp0, $4  }
0x15e: {  	vm14 =	veq.s32 v8, v0  }
0x15f: {  	vm15 =	veq.s32 v60, v0;
	v7 =	vsel vm14, s19, v7  }
0x160: {  	s31 =	sadd.s32 $0x8, s15;
	v7 =	vsel vm15, s20, v7  }
0x161: {  	s15 =	smov.u32 s31;
	s17 =	sadd.s32 $0x400, s17;
	[tilespmem:s18+$0x180] =	vst v7;
	s18 =	sadd.s32 $0x400, s18  }
0x162: {  	s13 =	sadd.s32 $0x1, s13  }
0x163: {  	p0 =	sne.s32 s13, $0x4  }
.Ltmp1:
0x164: {  	s14 =	sadd.s32 s5, s14;
	(pc) =	sbr.rel @p0 .LBB2_2-.Ltmp1, $4  }
0x165: {  	[hbm4b:s14+s1] =	stream.linear.scatter [tilespmem:s9], [sflag:$0x1], $0x10000, $0x38;
	v63 =	vld [tilespmem:$0x0]  }
0x166: {  	_ =	swait.ge [sflag:s8], $0x10000  }
0x167: {  	[sflag:s8] =	ssyncset.done $0x0  }
0x168: {  	s12 =	sadd.s32 $0x200, s12;
	s11 =	sadd.s32 $0x1, s11;
	[sflag:s8] =	ssyncadd.s32 $0xFFFF0000  }
0x169: {  	s10 =	sadd.s32 $0x1, s10  }
0x16a: {  	p0 =	sne.s32 s10, s6  }
.Ltmp2:
0x16b: {  	_ = 	snop;
	(pc) =	sbr.rel @p0 .LBB2_1-.Ltmp2, $1  }
0x16c: {  	_ =	sdelay $0x3  }
0x16d: {  	_ =	sfence.sel $0x180000  }
0x16e: {  	[bflag:$0x0] =	sbarrier.arrive $0xFFFF  }
0x16f: {  	p0 =	sne.s32 s2, $0x0;
	_ =	strace $0x90000047  }
0x170: {  	s0 =	sadd.s32 @!p0 $0x100000, s0;
	[bflag:$0x2] =	sbarrier.arrive $0xFFFF  }
0x171: {  	[sflag:s0] =	ssyncadd.tile.s32 @!p0 $0x1;
	_ =	shalt  }
.Lfunc_end2:
_tile_overlayer_lowered:
.L_overlay_start_2:
0x172: {  	(tag) =	ssettag $0x2  }
0x173: {  	s0 =	rddreg [dreg:$0x0];
	s2 =	stileid.u32  }
0x174: {  	s1 =	rddreg [dreg:$0x1];
	p0 =	sne.s32 s2, $0x0  }
0x175: {  	s3 =	rddreg [dreg:$0x2];
	[bflag:$0x3] =	sbarrier.arrive $0xFFFF;
	s2 =	simm.s32 @!p0 $0x1C01  }
0x176: {  	[timem:s3], [sflag:s2] =	dma.local @!p0 [hbm:s0], s1  }
0x177: {  	s0 =	simm.s32 @!p0 $0x1  }
0x178: {  	_ =	swait.ge @!p0 [sflag:s0], s1  }
0x179: {  	s1 =	ssub.s32 @!p0 $0x0, s1;
	[sflag:s0] =	ssyncset.done @!p0 $0x0  }
0x17a: {  	[sflag:s0] =	ssyncadd.s32 @!p0 s1  }
0x17b: {  	[bflag:$0x3] =	sbarrier.arrive $0xFFFF  }
0x17c: {  	_ =	shalt  }

</sc_bundles>
